<compile_context>
chip_gen: v7x
topology: tpu7x:2x2x1
jax: 0.10.2.dev20260603
libtpu: 0.0.44.dev20260713+nightly
codegen_flags: <defaults>
</compile_context>

<pallas_src>
import functools

import jax
import jax.numpy as jnp
from jax import lax
from jax.experimental import pallas as pl
from jax.experimental.pallas import tpu as pltpu
from jax.experimental.pallas import tpu_sc as plsc

_B = 8
_S = 2048
_M = 512
_K = 16
_CIN = 32
_COUT = 64
_EPS = 1e-5
_NROWS = _B * _M
_NG = _NROWS * _K
_NW = 32
_BPW = _NG // _NW


def _fps_body(p_ref, q_ref, d_ref):
    p = p_ref[...]
    px = p[0:_B]
    py = p[_B:2 * _B]
    pz = p[2 * _B:3 * _B]
    lane = lax.broadcasted_iota(jnp.int32, (_B, _S), 1)

    qlane = lax.broadcasted_iota(jnp.int32, (3 * _B, _M), 1)
    l0 = p[:, 0:1]
    q0 = jnp.where(qlane == 0, l0, 0.0)
    d_ref[...] = jnp.full((_B, _S), jnp.inf, dtype=jnp.float32)

    def body(i, carry):
        l, q = carry
        dx = px - l[0:_B]
        dy = py - l[_B:2 * _B]
        dz = pz - l[2 * _B:3 * _B]
        d = (dx * dx + dy * dy) + dz * dz
        dists = jnp.minimum(d_ref[...], d)
        d_ref[...] = dists
        mx = jnp.max(dists, axis=1, keepdims=True)
        eq = dists == mx
        nxt = jnp.min(jnp.where(eq, lane, _S), axis=1, keepdims=True)
        sel = lane == nxt
        sel3 = jnp.concatenate([sel, sel, sel], axis=0)
        l = jnp.sum(jnp.where(sel3, p, 0.0), axis=1, keepdims=True)
        q = jnp.where(qlane == i, l, q)
        return (l, q)

    _, q = lax.fori_loop(1, _M, body, (l0, q0))
    q_ref[...] = q


def _run_fps(p24):
    return pl.pallas_call(
        _fps_body,
        out_shape=jax.ShapeDtypeStruct((3 * _B, _M), jnp.float32),
        scratch_shapes=[pltpu.VMEM((_B, _S), jnp.float32)],
    )(p24)


_H = _S // 2


def _knn_body(qx_ref, qy_ref, qz_ref, px_ref, py_ref, pz_ref, out_ref,
              v_ref, vp_ref, i_ref):
    b = pl.program_id(0)
    qx = qx_ref[0]
    qy = qy_ref[0]
    qz = qz_ref[0]
    px = px_ref[0]
    py = py_ref[0]
    pz = pz_ref[0]

    def half(sl):
        dx = qx - px[:, sl]
        dy = qy - py[:, sl]
        dz = qz - pz[:, sl]
        return (dx * dx + dy * dy) + dz * dz

    dl = half(slice(0, _H))
    dr = half(slice(_H, _S))
    le = dl <= dr
    iota = lax.broadcasted_iota(jnp.int32, (_M, _H), 1)
    v_ref[...] = jnp.where(le, dl, dr)
    vp_ref[...] = jnp.where(le, dr, dl)
    i_ref[...] = jnp.where(le, iota, iota + _H)

    klane = lax.broadcasted_iota(jnp.int32, (_M, _K), 1)
    base = b * _S
    big = jnp.int32(2 * _S)
    knn = jnp.zeros((_M, _K), dtype=jnp.int32)
    for k in range(_K):
        v = v_ref[...]
        i = i_ref[...]
        mn = jnp.min(v, axis=1, keepdims=True)
        oidx = jnp.min(jnp.where(v == mn, i, big), axis=1, keepdims=True)
        knn = jnp.where(klane == k, oidx + base, knn)
        sel = i == oidx
        vp = vp_ref[...]
        v_ref[...] = jnp.where(sel, vp, v)
        i_ref[...] = jnp.where(sel, jnp.bitwise_xor(i, _H), i)
        vp_ref[...] = jnp.where(sel, jnp.inf, vp)
    out_ref[0] = knn


def _run_knn(qx3, qy3, qz3, px3, py3, pz3):
    qspec = pl.BlockSpec((1, _M, 1), lambda b: (b, 0, 0))
    pspec = pl.BlockSpec((1, 1, _S), lambda b: (b, 0, 0))
    return pl.pallas_call(
        _knn_body,
        grid=(_B,),
        in_specs=[qspec, qspec, qspec, pspec, pspec, pspec],
        out_specs=pl.BlockSpec((1, _M, _K), lambda b: (b, 0, 0)),
        out_shape=jax.ShapeDtypeStruct((_B, _M, _K), jnp.int32),
        scratch_shapes=[pltpu.VMEM((_M, _H), jnp.float32),
                        pltpu.VMEM((_M, _H), jnp.float32),
                        pltpu.VMEM((_M, _H), jnp.int32)],
    )(qx3, qy3, qz3, px3, py3, pz3)


_TW = 64


_HB = _BPW // 2


def _sc_gather_body(tab_hbm, idx_hbm, out_hbm, idx_v, r_v, sem):
    wid = lax.axis_index("s") * 2 + lax.axis_index("c")
    base = wid * _BPW
    pltpu.sync_copy(idx_hbm.at[pl.ds(wid * (_BPW // 128), _BPW // 128)], idx_v)
    for h in range(2):
        copies = []
        for j in range(_HB // 128):
            copies.append(pltpu.async_copy(
                tab_hbm.at[idx_v.at[h * (_HB // 128) + j]],
                r_v.at[pl.ds(j * 128, 128)], sem))
        for c in copies:
            c.wait()
        pltpu.sync_copy(r_v, out_hbm.at[pl.ds(base + h * _HB, _HB)])


def _run_sc_gather(table, idx2d):
    mesh = plsc.VectorSubcoreMesh(core_axis_name="c", subcore_axis_name="s")
    k = functools.partial(
        pl.kernel,
        out_type=jax.ShapeDtypeStruct((_NG, _TW), jnp.float32),
        mesh=mesh,
        scratch_types=[pltpu.VMEM((_BPW // 128, 128), jnp.int32),
                       pltpu.VMEM((_HB, _TW), jnp.float32),
                       pltpu.SemaphoreType.DMA],
        compiler_params=pltpu.CompilerParams(use_tc_tiling_on_sc=False),
    )(_sc_gather_body)
    return k(table, idx2d)


_RT = 512


def _mlp_body(g_ref, qp_ref, w2_ref, hmax_ref, hmin_ref, s_ref, ss_ref):
    t = jnp.dot(g_ref[...], w2_ref[...], preferred_element_type=jnp.float32)
    u = jnp.dot(qp_ref[...], w2_ref[:_TW, :_COUT],
                preferred_element_type=jnp.float32)
    u2 = jnp.concatenate([u, u], axis=1)
    th = t.reshape(_RT, _K // 2, 2 * _COUT) - u2[:, None, :]
    m8 = jnp.max(th, axis=1)
    n8 = jnp.min(th, axis=1)
    hmax_ref[...] = jnp.maximum(m8[:, :_COUT], m8[:, _COUT:])
    hmin_ref[...] = jnp.minimum(n8[:, :_COUT], n8[:, _COUT:])
    s2 = jnp.sum(th, axis=(0, 1))
    ss2 = jnp.sum(th * th, axis=(0, 1))
    s_ref[0] = (s2[:_COUT] + s2[_COUT:])[None, :]
    ss_ref[0] = (ss2[:_COUT] + ss2[_COUT:])[None, :]


def _run_mlp(g128, qp, w128):
    nsteps = _NROWS // _RT
    grk = _RT * _K // 2
    return pl.pallas_call(
        _mlp_body,
        grid=(nsteps,),
        in_specs=[
            pl.BlockSpec((grk, 2 * _TW), lambda g: (g, 0)),
            pl.BlockSpec((_RT, _TW), lambda g: (g, 0)),
            pl.BlockSpec((2 * _TW, 2 * _TW), lambda g: (0, 0)),
        ],
        out_specs=[
            pl.BlockSpec((_RT, _COUT), lambda g: (g, 0)),
            pl.BlockSpec((_RT, _COUT), lambda g: (g, 0)),
            pl.BlockSpec((1, 1, _COUT), lambda g: (g, 0, 0)),
            pl.BlockSpec((1, 1, _COUT), lambda g: (g, 0, 0)),
        ],
        out_shape=[
            jax.ShapeDtypeStruct((_NROWS, _COUT), jnp.float32),
            jax.ShapeDtypeStruct((_NROWS, _COUT), jnp.float32),
            jax.ShapeDtypeStruct((nsteps, 1, _COUT), jnp.float32),
            jax.ShapeDtypeStruct((nsteps, 1, _COUT), jnp.float32),
        ],
    )(g128, qp, w128)


def _fin_body(hmax_ref, hmin_ref, s_ref, ss_ref, gamma_ref, beta_ref, out_ref):
    n = float(_NG)
    s = jnp.sum(s_ref[...], axis=(0, 1))[None, :]
    ss = jnp.sum(ss_ref[...], axis=(0, 1))[None, :]
    mean = s / n
    var = ss / n - mean * mean
    a = gamma_ref[...] / jnp.sqrt(var + _EPS)
    bb = beta_ref[...] - mean * a
    hi = a * hmax_ref[...] + bb
    lo = a * hmin_ref[...] + bb
    out_ref[...] = jnp.maximum(jnp.maximum(hi, lo), 0.0)


def _run_fin(hmax, hmin, s, ss, gamma2, beta2):
    return pl.pallas_call(
        _fin_body,
        out_shape=jax.ShapeDtypeStruct((_NROWS, _COUT), jnp.float32),
    )(hmax, hmin, s, ss, gamma2, beta2)


def kernel(points, feat, row_splits, W, gamma, beta):
    pts = points.reshape(_B, _S, 3)
    px = pts[:, :, 0]
    py = pts[:, :, 1]
    pz = pts[:, :, 2]

    q24 = _run_fps(jnp.concatenate([px, py, pz], axis=0))
    qx = q24[0:_B]
    qy = q24[_B:2 * _B]
    qz = q24[2 * _B:3 * _B]

    knn = _run_knn(qx[:, :, None], qy[:, :, None], qz[:, :, None],
                   px[:, None, :], py[:, None, :], pz[:, None, :])

    table = jnp.concatenate(
        [points, feat, jnp.zeros((_B * _S, _TW - 3 - _CIN), jnp.float32)],
        axis=1)
    idx2d = knn.reshape(_NG // 128, 128)
    grows = _run_sc_gather(table, idx2d)

    new_point = jnp.concatenate(
        [qx.reshape(-1, 1), qy.reshape(-1, 1), qz.reshape(-1, 1)], axis=1)
    qp = jnp.concatenate(
        [new_point, jnp.zeros((_NROWS, _TW - 3), jnp.float32)], axis=1)
    w64 = jnp.concatenate([W, jnp.zeros((_TW - 3 - _CIN, _COUT), W.dtype)],
                          axis=0)
    z64 = jnp.zeros((_TW, _COUT), W.dtype)
    w128 = jnp.concatenate(
        [jnp.concatenate([w64, z64], axis=1),
         jnp.concatenate([z64, w64], axis=1)], axis=0)

    g128 = grows.reshape(_NG // 2, 2 * _TW)
    hmax, hmin, s, ss = _run_mlp(g128, qp, w128)
    out_feat = _run_fin(hmax, hmin, s, ss, gamma[None, :], beta[None, :])

    new_row_splits = (jnp.arange(_B + 1) * _M).astype(jnp.int32)
    return new_point, out_feat, new_row_splits

# --- scband reference (transcript-rebuilt; emitter-appended) ---
"""Pipeline reference for scband-transition-down-74440373174612 (READ-ONLY COPY).

The authoritative reference and input builder live on the scoring server;
editing this copy changes nothing except your own understanding.
"""

import jax, jax.numpy as jnp
import numpy as np

B = 8
S = 2048
STRIDE = 4
NSAMPLE = 16
IN_PLANES = 32
OUT_PLANES = 64
M = S // STRIDE  # 512 new points per segment
EPS = 1e-5


def setup_inputs(seed: int = 0) -> dict:
    key = jax.random.key(seed)
    k1, k2, k3 = jax.random.split(key, 3)
    points = jax.random.normal(k1, (B * S, 3), dtype=jnp.float32)
    feat = jax.random.normal(k2, (B * S, IN_PLANES), dtype=jnp.float32)
    row_splits = (jnp.arange(B + 1) * S).astype(jnp.int32)
    # Dense(out_planes, use_bias=False) on concat(xyz_rel, feat) -> in dim 3 + IN_PLANES
    W = jax.random.normal(k3, (3 + IN_PLANES, OUT_PLANES), dtype=jnp.float32) * (1.0 / np.sqrt(3 + IN_PLANES))
    gamma = jnp.ones((OUT_PLANES,), dtype=jnp.float32)
    beta = jnp.zeros((OUT_PLANES,), dtype=jnp.float32)
    return {"points": points, "feat": feat, "row_splits": row_splits, "W": W, "gamma": gamma, "beta": beta}


def _fps_segment(seg_pts):
    # Furthest point sampling within one segment: (S, 3) -> (M,) int32 local indices.
    def body(i, state):
        dists, idxs = state
        last = idxs[i - 1]
        d = jnp.sum((seg_pts - seg_pts[last]) ** 2, axis=-1)
        dists = jnp.minimum(dists, d)
        nxt = jnp.argmax(dists).astype(jnp.int32)
        idxs = idxs.at[i].set(nxt)
        return (dists, idxs)

    dists0 = jnp.full((S,), jnp.inf, dtype=jnp.float32)
    idxs0 = jnp.zeros((M,), dtype=jnp.int32)
    _, idxs = jax.lax.fori_loop(1, M, body, (dists0, idxs0))
    return idxs


def _knn_segment(seg_pts, q_pts):
    # Brute-force kNN within one segment: (S,3),(M,3) -> (M, NSAMPLE) local indices.
    d2 = jnp.sum((q_pts[:, None, :] - seg_pts[None, :, :]) ** 2, axis=-1)  # (M, S)
    _, idx = jax.lax.top_k(-d2, NSAMPLE)
    return idx.astype(jnp.int32)


def reference(points, feat, row_splits, W, gamma, beta):
    pts = points.reshape(B, S, 3)
    # furthest_point_sample_v2 per segment
    fps_idx = jax.vmap(_fps_segment)(pts)  # (B, M)
    queries = jnp.take_along_axis(pts, fps_idx[:, :, None], axis=1)  # (B, M, 3)
    # knn_batch per segment
    knn_idx = jax.vmap(_knn_segment)(pts, queries)  # (B, M, NSAMPLE)
    offsets = (jnp.arange(B) * S).astype(jnp.int32)
    gidx = (knn_idx + offsets[:, None, None]).reshape(B * M, NSAMPLE)  # global indices
    new_point = queries.reshape(B * M, 3)
    # queryandgroup with use_xyz=True
    grouped_xyz = points[gidx.reshape(-1)].reshape(B * M, NSAMPLE, 3) - new_point[:, None, :]
    grouped_feat = feat[gidx.reshape(-1)].reshape(B * M, NSAMPLE, IN_PLANES)
    g = jnp.concatenate([grouped_xyz, grouped_feat], axis=-1)  # (B*M, NSAMPLE, 3+c)
    # linear -> BN (training mode: batch stats over axes (0,1)) -> relu
    h = g @ W  # (B*M, NSAMPLE, OUT_PLANES)
    mean = jnp.mean(h, axis=(0, 1))
    var = jnp.var(h, axis=(0, 1))
    hn = (h - mean) / jnp.sqrt(var + EPS) * gamma + beta
    hr = jax.nn.relu(hn)
    # MaxPool1D(nsample) over the neighbor axis, then squeeze
    out_feat = jnp.max(hr, axis=1)  # (B*M, OUT_PLANES)
    new_row_splits = (jnp.arange(B + 1) * M).astype(jnp.int32)
    return new_point, out_feat, new_row_splits

if __name__ == "__main__":
    import jax
    _d = setup_inputs()
    print(jax.jit(kernel)(*tuple(_d.values())))

</pallas_src>

<mosaic_0001>
#map = affine_map<(d0, d1) -> (0, 0)>
module attributes {stable_mosaic.version = 14 : i64} {
  func.func @_sc_gather_body(%arg0: i32, %arg1: i32, %arg2: memref<16384x64xf32, #tpu.memory_space<hbm>>, %arg3: memref<512x128xi32, #tpu.memory_space<hbm>>, %arg4: memref<65536x64xf32, #tpu.memory_space<hbm>>, %arg5: memref<16x128xi32, #tpu.memory_space<vmem>>, %arg6: memref<1024x64xf32, #tpu.memory_space<vmem>>, %arg7: memref<!tpu.dma_semaphore, #tpu.memory_space<semaphore_mem>>) attributes {dimension_semantics = [#tpu.dimension_semantics<core_parallel>, #tpu.dimension_semantics<subcore_parallel>], iteration_bounds = array<i64: 2, 16>, scalar_prefetch = 0 : i64, scratch_operands = 3 : i64, tpu.core_type = #tpu.core_type<sc_vector_subcore>, window_params = [{transform_indices = #map}, {transform_indices = #map}, {transform_indices = #map}]} {
    %mul3A = arith.constant 2 : i32
    %mul3A_0 = arith.muli %arg1, %mul3A : i32
    %add3A = arith.addi %mul3A_0, %arg0 : i32
    %mul3A_1 = arith.constant 2048 : i32
    %mul3A_2 = arith.muli %add3A, %mul3A_1 : i32
    %mul3A_3 = arith.constant 16 : i32
    %mul3A_4 = arith.muli %add3A, %mul3A_3 : i32
    "tpu.region"() ({
      %run_scoped3A = tpu.sem_alloc : memref<!tpu.dma_semaphore, #tpu.memory_space<semaphore_mem>>
      %dma_start3A_327 = arith.constant 0 : i32
      %dma_start3A_328 = tpu.memref_slice %arg3[%mul3A_4, %dma_start3A_327] : memref<512x128xi32, #tpu.memory_space<hbm>> -> memref<16x128xi32, #tpu.memory_space<hbm>>
      %dma_start3A_329 = arith.constant 0 : i32
      %dma_start3A_330 = tpu.memref_slice %arg3[%mul3A_4, %dma_start3A_329] : memref<512x128xi32, #tpu.memory_space<hbm>> -> memref<16x128xi32, #tpu.memory_space<hbm>>
      tpu.enqueue_dma source(%dma_start3A_330 : memref<16x128xi32, #tpu.memory_space<hbm>>) target(%arg5 : memref<16x128xi32, #tpu.memory_space<vmem>>) target_semaphore(%run_scoped3A : memref<!tpu.dma_semaphore, #tpu.memory_space<semaphore_mem>>)
      %dma_wait3A_331 = arith.constant 0 : i32
      %dma_wait3A_332 = tpu.memref_slice %arg3[%mul3A_4, %dma_wait3A_331] : memref<512x128xi32, #tpu.memory_space<hbm>> -> memref<16x128xi32, #tpu.memory_space<hbm>>
      %dma_wait3A_333 = arith.constant 0 : i32
      %dma_wait3A_334 = tpu.memref_slice %arg3[%mul3A_4, %dma_wait3A_333] : memref<512x128xi32, #tpu.memory_space<hbm>> -> memref<16x128xi32, #tpu.memory_space<hbm>>
      tpu.wait_dma2 semaphore(%run_scoped3A : memref<!tpu.dma_semaphore, #tpu.memory_space<semaphore_mem>>) src(%dma_wait3A_334 : memref<16x128xi32, #tpu.memory_space<hbm>>) dst(%arg5 : memref<16x128xi32, #tpu.memory_space<vmem>>)
      tpu.yield
    }) : () -> ()
    %dma_start3A = arith.constant 0 : i32
    %dma_start3A_5 = arith.constant 0 : i32
    %dma_start3A_6 = arith.constant 0 : i32
    %dma_start3A_7 = tpu.memref_slice %arg6[%dma_start3A_5, %dma_start3A_6] : memref<1024x64xf32, #tpu.memory_space<vmem>> -> memref<128x64xf32, #tpu.memory_space<vmem>>
    %dma_start3A_8 = arith.constant 0 : i32
    %dma_start3A_9 = tpu.memref_slice %arg5[%dma_start3A, %dma_start3A_8] : memref<16x128xi32, #tpu.memory_space<vmem>> -> memref<1x128xi32, #tpu.memory_space<vmem>>
    %dma_start3A_10 = tpu.memref_squeeze %dma_start3A_9 : memref<1x128xi32, #tpu.memory_space<vmem>> -> memref<128xi32, #tpu.memory_space<vmem>>
    %dma_start3A_11 = arith.constant 0 : i32
    %dma_start3A_12 = arith.constant 0 : i32
    %dma_start3A_13 = tpu.memref_slice %arg2[%dma_start3A_11, %dma_start3A_12] : memref<16384x64xf32, #tpu.memory_space<hbm>> -> memref<16384x64xf32, #tpu.memory_space<hbm>>
    tpu.enqueue_indirect_dma source(%dma_start3A_13 : memref<16384x64xf32, #tpu.memory_space<hbm>>) target(%dma_start3A_7 : memref<128x64xf32, #tpu.memory_space<vmem>>) offsets(%dma_start3A_10 : memref<128xi32, #tpu.memory_space<vmem>>) semaphore(%arg7 : memref<!tpu.dma_semaphore, #tpu.memory_space<semaphore_mem>>)
    %dma_start3A_14 = arith.constant 1 : i32
    %dma_start3A_15 = arith.constant 128 : i32
    %dma_start3A_16 = arith.constant 0 : i32
    %dma_start3A_17 = tpu.memref_slice %arg6[%dma_start3A_15, %dma_start3A_16] : memref<1024x64xf32, #tpu.memory_space<vmem>> -> memref<128x64xf32, #tpu.memory_space<vmem>>
    %dma_start3A_18 = arith.constant 0 : i32
    %dma_start3A_19 = tpu.memref_slice %arg5[%dma_start3A_14, %dma_start3A_18] : memref<16x128xi32, #tpu.memory_space<vmem>> -> memref<1x128xi32, #tpu.memory_space<vmem>>
    %dma_start3A_20 = tpu.memref_squeeze %dma_start3A_19 : memref<1x128xi32, #tpu.memory_space<vmem>> -> memref<128xi32, #tpu.memory_space<vmem>>
    %dma_start3A_21 = arith.constant 0 : i32
    %dma_start3A_22 = arith.constant 0 : i32
    %dma_start3A_23 = tpu.memref_slice %arg2[%dma_start3A_21, %dma_start3A_22] : memref<16384x64xf32, #tpu.memory_space<hbm>> -> memref<16384x64xf32, #tpu.memory_space<hbm>>
    tpu.enqueue_indirect_dma source(%dma_start3A_23 : memref<16384x64xf32, #tpu.memory_space<hbm>>) target(%dma_start3A_17 : memref<128x64xf32, #tpu.memory_space<vmem>>) offsets(%dma_start3A_20 : memref<128xi32, #tpu.memory_space<vmem>>) semaphore(%arg7 : memref<!tpu.dma_semaphore, #tpu.memory_space<semaphore_mem>>)
    %dma_start3A_24 = arith.constant 2 : i32
    %dma_start3A_25 = arith.constant 256 : i32
    %dma_start3A_26 = arith.constant 0 : i32
    %dma_start3A_27 = tpu.memref_slice %arg6[%dma_start3A_25, %dma_start3A_26] : memref<1024x64xf32, #tpu.memory_space<vmem>> -> memref<128x64xf32, #tpu.memory_space<vmem>>
    %dma_start3A_28 = arith.constant 0 : i32
    %dma_start3A_29 = tpu.memref_slice %arg5[%dma_start3A_24, %dma_start3A_28] : memref<16x128xi32, #tpu.memory_space<vmem>> -> memref<1x128xi32, #tpu.memory_space<vmem>>
    %dma_start3A_30 = tpu.memref_squeeze %dma_start3A_29 : memref<1x128xi32, #tpu.memory_space<vmem>> -> memref<128xi32, #tpu.memory_space<vmem>>
    %dma_start3A_31 = arith.constant 0 : i32
    %dma_start3A_32 = arith.constant 0 : i32
    %dma_start3A_33 = tpu.memref_slice %arg2[%dma_start3A_31, %dma_start3A_32] : memref<16384x64xf32, #tpu.memory_space<hbm>> -> memref<16384x64xf32, #tpu.memory_space<hbm>>
    tpu.enqueue_indirect_dma source(%dma_start3A_33 : memref<16384x64xf32, #tpu.memory_space<hbm>>) target(%dma_start3A_27 : memref<128x64xf32, #tpu.memory_space<vmem>>) offsets(%dma_start3A_30 : memref<128xi32, #tpu.memory_space<vmem>>) semaphore(%arg7 : memref<!tpu.dma_semaphore, #tpu.memory_space<semaphore_mem>>)
    %dma_start3A_34 = arith.constant 3 : i32
    %dma_start3A_35 = arith.constant 384 : i32
    %dma_start3A_36 = arith.constant 0 : i32
    %dma_start3A_37 = tpu.memref_slice %arg6[%dma_start3A_35, %dma_start3A_36] : memref<1024x64xf32, #tpu.memory_space<vmem>> -> memref<128x64xf32, #tpu.memory_space<vmem>>
    %dma_start3A_38 = arith.constant 0 : i32
    %dma_start3A_39 = tpu.memref_slice %arg5[%dma_start3A_34, %dma_start3A_38] : memref<16x128xi32, #tpu.memory_space<vmem>> -> memref<1x128xi32, #tpu.memory_space<vmem>>
    %dma_start3A_40 = tpu.memref_squeeze %dma_start3A_39 : memref<1x128xi32, #tpu.memory_space<vmem>> -> memref<128xi32, #tpu.memory_space<vmem>>
    %dma_start3A_41 = arith.constant 0 : i32
    %dma_start3A_42 = arith.constant 0 : i32
    %dma_start3A_43 = tpu.memref_slice %arg2[%dma_start3A_41, %dma_start3A_42] : memref<16384x64xf32, #tpu.memory_space<hbm>> -> memref<16384x64xf32, #tpu.memory_space<hbm>>
    tpu.enqueue_indirect_dma source(%dma_start3A_43 : memref<16384x64xf32, #tpu.memory_space<hbm>>) target(%dma_start3A_37 : memref<128x64xf32, #tpu.memory_space<vmem>>) offsets(%dma_start3A_40 : memref<128xi32, #tpu.memory_space<vmem>>) semaphore(%arg7 : memref<!tpu.dma_semaphore, #tpu.memory_space<semaphore_mem>>)
    %dma_start3A_44 = arith.constant 4 : i32
    %dma_start3A_45 = arith.constant 512 : i32
    %dma_start3A_46 = arith.constant 0 : i32
    %dma_start3A_47 = tpu.memref_slice %arg6[%dma_start3A_45, %dma_start3A_46] : memref<1024x64xf32, #tpu.memory_space<vmem>> -> memref<128x64xf32, #tpu.memory_space<vmem>>
    %dma_start3A_48 = arith.constant 0 : i32
    %dma_start3A_49 = tpu.memref_slice %arg5[%dma_start3A_44, %dma_start3A_48] : memref<16x128xi32, #tpu.memory_space<vmem>> -> memref<1x128xi32, #tpu.memory_space<vmem>>
    %dma_start3A_50 = tpu.memref_squeeze %dma_start3A_49 : memref<1x128xi32, #tpu.memory_space<vmem>> -> memref<128xi32, #tpu.memory_space<vmem>>
    %dma_start3A_51 = arith.constant 0 : i32
    %dma_start3A_52 = arith.constant 0 : i32
    %dma_start3A_53 = tpu.memref_slice %arg2[%dma_start3A_51, %dma_start3A_52] : memref<16384x64xf32, #tpu.memory_space<hbm>> -> memref<16384x64xf32, #tpu.memory_space<hbm>>
    tpu.enqueue_indirect_dma source(%dma_start3A_53 : memref<16384x64xf32, #tpu.memory_space<hbm>>) target(%dma_start3A_47 : memref<128x64xf32, #tpu.memory_space<vmem>>) offsets(%dma_start3A_50 : memref<128xi32, #tpu.memory_space<vmem>>) semaphore(%arg7 : memref<!tpu.dma_semaphore, #tpu.memory_space<semaphore_mem>>)
    %dma_start3A_54 = arith.constant 5 : i32
    %dma_start3A_55 = arith.constant 640 : i32
    %dma_start3A_56 = arith.constant 0 : i32
    %dma_start3A_57 = tpu.memref_slice %arg6[%dma_start3A_55, %dma_start3A_56] : memref<1024x64xf32, #tpu.memory_space<vmem>> -> memref<128x64xf32, #tpu.memory_space<vmem>>
    %dma_start3A_58 = arith.constant 0 : i32
    %dma_start3A_59 = tpu.memref_slice %arg5[%dma_start3A_54, %dma_start3A_58] : memref<16x128xi32, #tpu.memory_space<vmem>> -> memref<1x128xi32, #tpu.memory_space<vmem>>
    %dma_start3A_60 = tpu.memref_squeeze %dma_start3A_59 : memref<1x128xi32, #tpu.memory_space<vmem>> -> memref<128xi32, #tpu.memory_space<vmem>>
    %dma_start3A_61 = arith.constant 0 : i32
    %dma_start3A_62 = arith.constant 0 : i32
    %dma_start3A_63 = tpu.memref_slice %arg2[%dma_start3A_61, %dma_start3A_62] : memref<16384x64xf32, #tpu.memory_space<hbm>> -> memref<16384x64xf32, #tpu.memory_space<hbm>>
    tpu.enqueue_indirect_dma source(%dma_start3A_63 : memref<16384x64xf32, #tpu.memory_space<hbm>>) target(%dma_start3A_57 : memref<128x64xf32, #tpu.memory_space<vmem>>) offsets(%dma_start3A_60 : memref<128xi32, #tpu.memory_space<vmem>>) semaphore(%arg7 : memref<!tpu.dma_semaphore, #tpu.memory_space<semaphore_mem>>)
    %dma_start3A_64 = arith.constant 6 : i32
    %dma_start3A_65 = arith.constant 768 : i32
    %dma_start3A_66 = arith.constant 0 : i32
    %dma_start3A_67 = tpu.memref_slice %arg6[%dma_start3A_65, %dma_start3A_66] : memref<1024x64xf32, #tpu.memory_space<vmem>> -> memref<128x64xf32, #tpu.memory_space<vmem>>
    %dma_start3A_68 = arith.constant 0 : i32
    %dma_start3A_69 = tpu.memref_slice %arg5[%dma_start3A_64, %dma_start3A_68] : memref<16x128xi32, #tpu.memory_space<vmem>> -> memref<1x128xi32, #tpu.memory_space<vmem>>
    %dma_start3A_70 = tpu.memref_squeeze %dma_start3A_69 : memref<1x128xi32, #tpu.memory_space<vmem>> -> memref<128xi32, #tpu.memory_space<vmem>>
    %dma_start3A_71 = arith.constant 0 : i32
    %dma_start3A_72 = arith.constant 0 : i32
    %dma_start3A_73 = tpu.memref_slice %arg2[%dma_start3A_71, %dma_start3A_72] : memref<16384x64xf32, #tpu.memory_space<hbm>> -> memref<16384x64xf32, #tpu.memory_space<hbm>>
    tpu.enqueue_indirect_dma source(%dma_start3A_73 : memref<16384x64xf32, #tpu.memory_space<hbm>>) target(%dma_start3A_67 : memref<128x64xf32, #tpu.memory_space<vmem>>) offsets(%dma_start3A_70 : memref<128xi32, #tpu.memory_space<vmem>>) semaphore(%arg7 : memref<!tpu.dma_semaphore, #tpu.memory_space<semaphore_mem>>)
    %dma_start3A_74 = arith.constant 7 : i32
    %dma_start3A_75 = arith.constant 896 : i32
    %dma_start3A_76 = arith.constant 0 : i32
    %dma_start3A_77 = tpu.memref_slice %arg6[%dma_start3A_75, %dma_start3A_76] : memref<1024x64xf32, #tpu.memory_space<vmem>> -> memref<128x64xf32, #tpu.memory_space<vmem>>
    %dma_start3A_78 = arith.constant 0 : i32
    %dma_start3A_79 = tpu.memref_slice %arg5[%dma_start3A_74, %dma_start3A_78] : memref<16x128xi32, #tpu.memory_space<vmem>> -> memref<1x128xi32, #tpu.memory_space<vmem>>
    %dma_start3A_80 = tpu.memref_squeeze %dma_start3A_79 : memref<1x128xi32, #tpu.memory_space<vmem>> -> memref<128xi32, #tpu.memory_space<vmem>>
    %dma_start3A_81 = arith.constant 0 : i32
    %dma_start3A_82 = arith.constant 0 : i32
    %dma_start3A_83 = tpu.memref_slice %arg2[%dma_start3A_81, %dma_start3A_82] : memref<16384x64xf32, #tpu.memory_space<hbm>> -> memref<16384x64xf32, #tpu.memory_space<hbm>>
    tpu.enqueue_indirect_dma source(%dma_start3A_83 : memref<16384x64xf32, #tpu.memory_space<hbm>>) target(%dma_start3A_77 : memref<128x64xf32, #tpu.memory_space<vmem>>) offsets(%dma_start3A_80 : memref<128xi32, #tpu.memory_space<vmem>>) semaphore(%arg7 : memref<!tpu.dma_semaphore, #tpu.memory_space<semaphore_mem>>)
    %dma_wait3A = arith.constant 0 : i32
    %dma_wait3A_84 = arith.constant 0 : i32
    %dma_wait3A_85 = arith.constant 0 : i32
    %dma_wait3A_86 = tpu.memref_slice %arg6[%dma_wait3A_84, %dma_wait3A_85] : memref<1024x64xf32, #tpu.memory_space<vmem>> -> memref<128x64xf32, #tpu.memory_space<vmem>>
    %dma_wait3A_87 = arith.constant 0 : i32
    %dma_wait3A_88 = tpu.memref_slice %arg5[%dma_wait3A, %dma_wait3A_87] : memref<16x128xi32, #tpu.memory_space<vmem>> -> memref<1x128xi32, #tpu.memory_space<vmem>>
    %dma_wait3A_89 = tpu.memref_squeeze %dma_wait3A_88 : memref<1x128xi32, #tpu.memory_space<vmem>> -> memref<128xi32, #tpu.memory_space<vmem>>
    %dma_wait3A_90 = arith.constant 0 : i32
    %dma_wait3A_91 = arith.constant 0 : i32
    %dma_wait3A_92 = tpu.memref_slice %arg2[%dma_wait3A_90, %dma_wait3A_91] : memref<16384x64xf32, #tpu.memory_space<hbm>> -> memref<16384x64xf32, #tpu.memory_space<hbm>>
    tpu.wait_indirect_dma semaphore(%arg7 : memref<!tpu.dma_semaphore, #tpu.memory_space<semaphore_mem>>) src(%dma_wait3A_92 : memref<16384x64xf32, #tpu.memory_space<hbm>>) dst(%dma_wait3A_86 : memref<128x64xf32, #tpu.memory_space<vmem>>)
    %dma_wait3A_93 = arith.constant 1 : i32
    %dma_wait3A_94 = arith.constant 128 : i32
    %dma_wait3A_95 = arith.constant 0 : i32
    %dma_wait3A_96 = tpu.memref_slice %arg6[%dma_wait3A_94, %dma_wait3A_95] : memref<1024x64xf32, #tpu.memory_space<vmem>> -> memref<128x64xf32, #tpu.memory_space<vmem>>
    %dma_wait3A_97 = arith.constant 0 : i32
    %dma_wait3A_98 = tpu.memref_slice %arg5[%dma_wait3A_93, %dma_wait3A_97] : memref<16x128xi32, #tpu.memory_space<vmem>> -> memref<1x128xi32, #tpu.memory_space<vmem>>
    %dma_wait3A_99 = tpu.memref_squeeze %dma_wait3A_98 : memref<1x128xi32, #tpu.memory_space<vmem>> -> memref<128xi32, #tpu.memory_space<vmem>>
    %dma_wait3A_100 = arith.constant 0 : i32
    %dma_wait3A_101 = arith.constant 0 : i32
    %dma_wait3A_102 = tpu.memref_slice %arg2[%dma_wait3A_100, %dma_wait3A_101] : memref<16384x64xf32, #tpu.memory_space<hbm>> -> memref<16384x64xf32, #tpu.memory_space<hbm>>
    tpu.wait_indirect_dma semaphore(%arg7 : memref<!tpu.dma_semaphore, #tpu.memory_space<semaphore_mem>>) src(%dma_wait3A_102 : memref<16384x64xf32, #tpu.memory_space<hbm>>) dst(%dma_wait3A_96 : memref<128x64xf32, #tpu.memory_space<vmem>>)
    %dma_wait3A_103 = arith.constant 2 : i32
    %dma_wait3A_104 = arith.constant 256 : i32
    %dma_wait3A_105 = arith.constant 0 : i32
    %dma_wait3A_106 = tpu.memref_slice %arg6[%dma_wait3A_104, %dma_wait3A_105] : memref<1024x64xf32, #tpu.memory_space<vmem>> -> memref<128x64xf32, #tpu.memory_space<vmem>>
    %dma_wait3A_107 = arith.constant 0 : i32
    %dma_wait3A_108 = tpu.memref_slice %arg5[%dma_wait3A_103, %dma_wait3A_107] : memref<16x128xi32, #tpu.memory_space<vmem>> -> memref<1x128xi32, #tpu.memory_space<vmem>>
    %dma_wait3A_109 = tpu.memref_squeeze %dma_wait3A_108 : memref<1x128xi32, #tpu.memory_space<vmem>> -> memref<128xi32, #tpu.memory_space<vmem>>
    %dma_wait3A_110 = arith.constant 0 : i32
    %dma_wait3A_111 = arith.constant 0 : i32
    %dma_wait3A_112 = tpu.memref_slice %arg2[%dma_wait3A_110, %dma_wait3A_111] : memref<16384x64xf32, #tpu.memory_space<hbm>> -> memref<16384x64xf32, #tpu.memory_space<hbm>>
    tpu.wait_indirect_dma semaphore(%arg7 : memref<!tpu.dma_semaphore, #tpu.memory_space<semaphore_mem>>) src(%dma_wait3A_112 : memref<16384x64xf32, #tpu.memory_space<hbm>>) dst(%dma_wait3A_106 : memref<128x64xf32, #tpu.memory_space<vmem>>)
    %dma_wait3A_113 = arith.constant 3 : i32
    %dma_wait3A_114 = arith.constant 384 : i32
    %dma_wait3A_115 = arith.constant 0 : i32
    %dma_wait3A_116 = tpu.memref_slice %arg6[%dma_wait3A_114, %dma_wait3A_115] : memref<1024x64xf32, #tpu.memory_space<vmem>> -> memref<128x64xf32, #tpu.memory_space<vmem>>
    %dma_wait3A_117 = arith.constant 0 : i32
    %dma_wait3A_118 = tpu.memref_slice %arg5[%dma_wait3A_113, %dma_wait3A_117] : memref<16x128xi32, #tpu.memory_space<vmem>> -> memref<1x128xi32, #tpu.memory_space<vmem>>
    %dma_wait3A_119 = tpu.memref_squeeze %dma_wait3A_118 : memref<1x128xi32, #tpu.memory_space<vmem>> -> memref<128xi32, #tpu.memory_space<vmem>>
    %dma_wait3A_120 = arith.constant 0 : i32
    %dma_wait3A_121 = arith.constant 0 : i32
    %dma_wait3A_122 = tpu.memref_slice %arg2[%dma_wait3A_120, %dma_wait3A_121] : memref<16384x64xf32, #tpu.memory_space<hbm>> -> memref<16384x64xf32, #tpu.memory_space<hbm>>
    tpu.wait_indirect_dma semaphore(%arg7 : memref<!tpu.dma_semaphore, #tpu.memory_space<semaphore_mem>>) src(%dma_wait3A_122 : memref<16384x64xf32, #tpu.memory_space<hbm>>) dst(%dma_wait3A_116 : memref<128x64xf32, #tpu.memory_space<vmem>>)
    %dma_wait3A_123 = arith.constant 4 : i32
    %dma_wait3A_124 = arith.constant 512 : i32
    %dma_wait3A_125 = arith.constant 0 : i32
    %dma_wait3A_126 = tpu.memref_slice %arg6[%dma_wait3A_124, %dma_wait3A_125] : memref<1024x64xf32, #tpu.memory_space<vmem>> -> memref<128x64xf32, #tpu.memory_space<vmem>>
    %dma_wait3A_127 = arith.constant 0 : i32
    %dma_wait3A_128 = tpu.memref_slice %arg5[%dma_wait3A_123, %dma_wait3A_127] : memref<16x128xi32, #tpu.memory_space<vmem>> -> memref<1x128xi32, #tpu.memory_space<vmem>>
    %dma_wait3A_129 = tpu.memref_squeeze %dma_wait3A_128 : memref<1x128xi32, #tpu.memory_space<vmem>> -> memref<128xi32, #tpu.memory_space<vmem>>
    %dma_wait3A_130 = arith.constant 0 : i32
    %dma_wait3A_131 = arith.constant 0 : i32
    %dma_wait3A_132 = tpu.memref_slice %arg2[%dma_wait3A_130, %dma_wait3A_131] : memref<16384x64xf32, #tpu.memory_space<hbm>> -> memref<16384x64xf32, #tpu.memory_space<hbm>>
    tpu.wait_indirect_dma semaphore(%arg7 : memref<!tpu.dma_semaphore, #tpu.memory_space<semaphore_mem>>) src(%dma_wait3A_132 : memref<16384x64xf32, #tpu.memory_space<hbm>>) dst(%dma_wait3A_126 : memref<128x64xf32, #tpu.memory_space<vmem>>)
    %dma_wait3A_133 = arith.constant 5 : i32
    %dma_wait3A_134 = arith.constant 640 : i32
    %dma_wait3A_135 = arith.constant 0 : i32
    %dma_wait3A_136 = tpu.memref_slice %arg6[%dma_wait3A_134, %dma_wait3A_135] : memref<1024x64xf32, #tpu.memory_space<vmem>> -> memref<128x64xf32, #tpu.memory_space<vmem>>
    %dma_wait3A_137 = arith.constant 0 : i32
    %dma_wait3A_138 = tpu.memref_slice %arg5[%dma_wait3A_133, %dma_wait3A_137] : memref<16x128xi32, #tpu.memory_space<vmem>> -> memref<1x128xi32, #tpu.memory_space<vmem>>
    %dma_wait3A_139 = tpu.memref_squeeze %dma_wait3A_138 : memref<1x128xi32, #tpu.memory_space<vmem>> -> memref<128xi32, #tpu.memory_space<vmem>>
    %dma_wait3A_140 = arith.constant 0 : i32
    %dma_wait3A_141 = arith.constant 0 : i32
    %dma_wait3A_142 = tpu.memref_slice %arg2[%dma_wait3A_140, %dma_wait3A_141] : memref<16384x64xf32, #tpu.memory_space<hbm>> -> memref<16384x64xf32, #tpu.memory_space<hbm>>
    tpu.wait_indirect_dma semaphore(%arg7 : memref<!tpu.dma_semaphore, #tpu.memory_space<semaphore_mem>>) src(%dma_wait3A_142 : memref<16384x64xf32, #tpu.memory_space<hbm>>) dst(%dma_wait3A_136 : memref<128x64xf32, #tpu.memory_space<vmem>>)
    %dma_wait3A_143 = arith.constant 6 : i32
    %dma_wait3A_144 = arith.constant 768 : i32
    %dma_wait3A_145 = arith.constant 0 : i32
    %dma_wait3A_146 = tpu.memref_slice %arg6[%dma_wait3A_144, %dma_wait3A_145] : memref<1024x64xf32, #tpu.memory_space<vmem>> -> memref<128x64xf32, #tpu.memory_space<vmem>>
    %dma_wait3A_147 = arith.constant 0 : i32
    %dma_wait3A_148 = tpu.memref_slice %arg5[%dma_wait3A_143, %dma_wait3A_147] : memref<16x128xi32, #tpu.memory_space<vmem>> -> memref<1x128xi32, #tpu.memory_space<vmem>>
    %dma_wait3A_149 = tpu.memref_squeeze %dma_wait3A_148 : memref<1x128xi32, #tpu.memory_space<vmem>> -> memref<128xi32, #tpu.memory_space<vmem>>
    %dma_wait3A_150 = arith.constant 0 : i32
    %dma_wait3A_151 = arith.constant 0 : i32
    %dma_wait3A_152 = tpu.memref_slice %arg2[%dma_wait3A_150, %dma_wait3A_151] : memref<16384x64xf32, #tpu.memory_space<hbm>> -> memref<16384x64xf32, #tpu.memory_space<hbm>>
    tpu.wait_indirect_dma semaphore(%arg7 : memref<!tpu.dma_semaphore, #tpu.memory_space<semaphore_mem>>) src(%dma_wait3A_152 : memref<16384x64xf32, #tpu.memory_space<hbm>>) dst(%dma_wait3A_146 : memref<128x64xf32, #tpu.memory_space<vmem>>)
    %dma_wait3A_153 = arith.constant 7 : i32
    %dma_wait3A_154 = arith.constant 896 : i32
    %dma_wait3A_155 = arith.constant 0 : i32
    %dma_wait3A_156 = tpu.memref_slice %arg6[%dma_wait3A_154, %dma_wait3A_155] : memref<1024x64xf32, #tpu.memory_space<vmem>> -> memref<128x64xf32, #tpu.memory_space<vmem>>
    %dma_wait3A_157 = arith.constant 0 : i32
    %dma_wait3A_158 = tpu.memref_slice %arg5[%dma_wait3A_153, %dma_wait3A_157] : memref<16x128xi32, #tpu.memory_space<vmem>> -> memref<1x128xi32, #tpu.memory_space<vmem>>
    %dma_wait3A_159 = tpu.memref_squeeze %dma_wait3A_158 : memref<1x128xi32, #tpu.memory_space<vmem>> -> memref<128xi32, #tpu.memory_space<vmem>>
    %dma_wait3A_160 = arith.constant 0 : i32
    %dma_wait3A_161 = arith.constant 0 : i32
    %dma_wait3A_162 = tpu.memref_slice %arg2[%dma_wait3A_160, %dma_wait3A_161] : memref<16384x64xf32, #tpu.memory_space<hbm>> -> memref<16384x64xf32, #tpu.memory_space<hbm>>
    tpu.wait_indirect_dma semaphore(%arg7 : memref<!tpu.dma_semaphore, #tpu.memory_space<semaphore_mem>>) src(%dma_wait3A_162 : memref<16384x64xf32, #tpu.memory_space<hbm>>) dst(%dma_wait3A_156 : memref<128x64xf32, #tpu.memory_space<vmem>>)
    %add3A_163 = arith.constant 0 : i32
    %add3A_164 = arith.addi %mul3A_2, %add3A_163 : i32
    "tpu.region"() ({
      %run_scoped3A = tpu.sem_alloc : memref<!tpu.dma_semaphore, #tpu.memory_space<semaphore_mem>>
      %dma_start3A_327 = arith.constant 0 : i32
      %dma_start3A_328 = tpu.memref_slice %arg4[%add3A_164, %dma_start3A_327] : memref<65536x64xf32, #tpu.memory_space<hbm>> -> memref<1024x64xf32, #tpu.memory_space<hbm>>
      %dma_start3A_329 = arith.constant 0 : i32
      %dma_start3A_330 = tpu.memref_slice %arg4[%add3A_164, %dma_start3A_329] : memref<65536x64xf32, #tpu.memory_space<hbm>> -> memref<1024x64xf32, #tpu.memory_space<hbm>>
      tpu.enqueue_dma source(%arg6 : memref<1024x64xf32, #tpu.memory_space<vmem>>) target(%dma_start3A_330 : memref<1024x64xf32, #tpu.memory_space<hbm>>) target_semaphore(%run_scoped3A : memref<!tpu.dma_semaphore, #tpu.memory_space<semaphore_mem>>)
      %dma_wait3A_331 = arith.constant 0 : i32
      %dma_wait3A_332 = tpu.memref_slice %arg4[%add3A_164, %dma_wait3A_331] : memref<65536x64xf32, #tpu.memory_space<hbm>> -> memref<1024x64xf32, #tpu.memory_space<hbm>>
      %dma_wait3A_333 = arith.constant 0 : i32
      %dma_wait3A_334 = tpu.memref_slice %arg4[%add3A_164, %dma_wait3A_333] : memref<65536x64xf32, #tpu.memory_space<hbm>> -> memref<1024x64xf32, #tpu.memory_space<hbm>>
      tpu.wait_dma2 semaphore(%run_scoped3A : memref<!tpu.dma_semaphore, #tpu.memory_space<semaphore_mem>>) src(%arg6 : memref<1024x64xf32, #tpu.memory_space<vmem>>) dst(%dma_wait3A_334 : memref<1024x64xf32, #tpu.memory_space<hbm>>)
      tpu.yield
    }) : () -> ()
    %dma_start3A_165 = arith.constant 8 : i32
    %dma_start3A_166 = arith.constant 0 : i32
    %dma_start3A_167 = arith.constant 0 : i32
    %dma_start3A_168 = tpu.memref_slice %arg6[%dma_start3A_166, %dma_start3A_167] : memref<1024x64xf32, #tpu.memory_space<vmem>> -> memref<128x64xf32, #tpu.memory_space<vmem>>
    %dma_start3A_169 = arith.constant 0 : i32
    %dma_start3A_170 = tpu.memref_slice %arg5[%dma_start3A_165, %dma_start3A_169] : memref<16x128xi32, #tpu.memory_space<vmem>> -> memref<1x128xi32, #tpu.memory_space<vmem>>
    %dma_start3A_171 = tpu.memref_squeeze %dma_start3A_170 : memref<1x128xi32, #tpu.memory_space<vmem>> -> memref<128xi32, #tpu.memory_space<vmem>>
    %dma_start3A_172 = arith.constant 0 : i32
    %dma_start3A_173 = arith.constant 0 : i32
    %dma_start3A_174 = tpu.memref_slice %arg2[%dma_start3A_172, %dma_start3A_173] : memref<16384x64xf32, #tpu.memory_space<hbm>> -> memref<16384x64xf32, #tpu.memory_space<hbm>>
    tpu.enqueue_indirect_dma source(%dma_start3A_174 : memref<16384x64xf32, #tpu.memory_space<hbm>>) target(%dma_start3A_168 : memref<128x64xf32, #tpu.memory_space<vmem>>) offsets(%dma_start3A_171 : memref<128xi32, #tpu.memory_space<vmem>>) semaphore(%arg7 : memref<!tpu.dma_semaphore, #tpu.memory_space<semaphore_mem>>)
    %dma_start3A_175 = arith.constant 9 : i32
    %dma_start3A_176 = arith.constant 128 : i32
    %dma_start3A_177 = arith.constant 0 : i32
    %dma_start3A_178 = tpu.memref_slice %arg6[%dma_start3A_176, %dma_start3A_177] : memref<1024x64xf32, #tpu.memory_space<vmem>> -> memref<128x64xf32, #tpu.memory_space<vmem>>
    %dma_start3A_179 = arith.constant 0 : i32
    %dma_start3A_180 = tpu.memref_slice %arg5[%dma_start3A_175, %dma_start3A_179] : memref<16x128xi32, #tpu.memory_space<vmem>> -> memref<1x128xi32, #tpu.memory_space<vmem>>
    %dma_start3A_181 = tpu.memref_squeeze %dma_start3A_180 : memref<1x128xi32, #tpu.memory_space<vmem>> -> memref<128xi32, #tpu.memory_space<vmem>>
    %dma_start3A_182 = arith.constant 0 : i32
    %dma_start3A_183 = arith.constant 0 : i32
    %dma_start3A_184 = tpu.memref_slice %arg2[%dma_start3A_182, %dma_start3A_183] : memref<16384x64xf32, #tpu.memory_space<hbm>> -> memref<16384x64xf32, #tpu.memory_space<hbm>>
    tpu.enqueue_indirect_dma source(%dma_start3A_184 : memref<16384x64xf32, #tpu.memory_space<hbm>>) target(%dma_start3A_178 : memref<128x64xf32, #tpu.memory_space<vmem>>) offsets(%dma_start3A_181 : memref<128xi32, #tpu.memory_space<vmem>>) semaphore(%arg7 : memref<!tpu.dma_semaphore, #tpu.memory_space<semaphore_mem>>)
    %dma_start3A_185 = arith.constant 10 : i32
    %dma_start3A_186 = arith.constant 256 : i32
    %dma_start3A_187 = arith.constant 0 : i32
    %dma_start3A_188 = tpu.memref_slice %arg6[%dma_start3A_186, %dma_start3A_187] : memref<1024x64xf32, #tpu.memory_space<vmem>> -> memref<128x64xf32, #tpu.memory_space<vmem>>
    %dma_start3A_189 = arith.constant 0 : i32
    %dma_start3A_190 = tpu.memref_slice %arg5[%dma_start3A_185, %dma_start3A_189] : memref<16x128xi32, #tpu.memory_space<vmem>> -> memref<1x128xi32, #tpu.memory_space<vmem>>
    %dma_start3A_191 = tpu.memref_squeeze %dma_start3A_190 : memref<1x128xi32, #tpu.memory_space<vmem>> -> memref<128xi32, #tpu.memory_space<vmem>>
    %dma_start3A_192 = arith.constant 0 : i32
    %dma_start3A_193 = arith.constant 0 : i32
    %dma_start3A_194 = tpu.memref_slice %arg2[%dma_start3A_192, %dma_start3A_193] : memref<16384x64xf32, #tpu.memory_space<hbm>> -> memref<16384x64xf32, #tpu.memory_space<hbm>>
    tpu.enqueue_indirect_dma source(%dma_start3A_194 : memref<16384x64xf32, #tpu.memory_space<hbm>>) target(%dma_start3A_188 : memref<128x64xf32, #tpu.memory_space<vmem>>) offsets(%dma_start3A_191 : memref<128xi32, #tpu.memory_space<vmem>>) semaphore(%arg7 : memref<!tpu.dma_semaphore, #tpu.memory_space<semaphore_mem>>)
    %dma_start3A_195 = arith.constant 11 : i32
    %dma_start3A_196 = arith.constant 384 : i32
    %dma_start3A_197 = arith.constant 0 : i32
    %dma_start3A_198 = tpu.memref_slice %arg6[%dma_start3A_196, %dma_start3A_197] : memref<1024x64xf32, #tpu.memory_space<vmem>> -> memref<128x64xf32, #tpu.memory_space<vmem>>
    %dma_start3A_199 = arith.constant 0 : i32
    %dma_start3A_200 = tpu.memref_slice %arg5[%dma_start3A_195, %dma_start3A_199] : memref<16x128xi32, #tpu.memory_space<vmem>> -> memref<1x128xi32, #tpu.memory_space<vmem>>
    %dma_start3A_201 = tpu.memref_squeeze %dma_start3A_200 : memref<1x128xi32, #tpu.memory_space<vmem>> -> memref<128xi32, #tpu.memory_space<vmem>>
    %dma_start3A_202 = arith.constant 0 : i32
    %dma_start3A_203 = arith.constant 0 : i32
    %dma_start3A_204 = tpu.memref_slice %arg2[%dma_start3A_202, %dma_start3A_203] : memref<16384x64xf32, #tpu.memory_space<hbm>> -> memref<16384x64xf32, #tpu.memory_space<hbm>>
    tpu.enqueue_indirect_dma source(%dma_start3A_204 : memref<16384x64xf32, #tpu.memory_space<hbm>>) target(%dma_start3A_198 : memref<128x64xf32, #tpu.memory_space<vmem>>) offsets(%dma_start3A_201 : memref<128xi32, #tpu.memory_space<vmem>>) semaphore(%arg7 : memref<!tpu.dma_semaphore, #tpu.memory_space<semaphore_mem>>)
    %dma_start3A_205 = arith.constant 12 : i32
    %dma_start3A_206 = arith.constant 512 : i32
    %dma_start3A_207 = arith.constant 0 : i32
    %dma_start3A_208 = tpu.memref_slice %arg6[%dma_start3A_206, %dma_start3A_207] : memref<1024x64xf32, #tpu.memory_space<vmem>> -> memref<128x64xf32, #tpu.memory_space<vmem>>
    %dma_start3A_209 = arith.constant 0 : i32
    %dma_start3A_210 = tpu.memref_slice %arg5[%dma_start3A_205, %dma_start3A_209] : memref<16x128xi32, #tpu.memory_space<vmem>> -> memref<1x128xi32, #tpu.memory_space<vmem>>
    %dma_start3A_211 = tpu.memref_squeeze %dma_start3A_210 : memref<1x128xi32, #tpu.memory_space<vmem>> -> memref<128xi32, #tpu.memory_space<vmem>>
    %dma_start3A_212 = arith.constant 0 : i32
    %dma_start3A_213 = arith.constant 0 : i32
    %dma_start3A_214 = tpu.memref_slice %arg2[%dma_start3A_212, %dma_start3A_213] : memref<16384x64xf32, #tpu.memory_space<hbm>> -> memref<16384x64xf32, #tpu.memory_space<hbm>>
    tpu.enqueue_indirect_dma source(%dma_start3A_214 : memref<16384x64xf32, #tpu.memory_space<hbm>>) target(%dma_start3A_208 : memref<128x64xf32, #tpu.memory_space<vmem>>) offsets(%dma_start3A_211 : memref<128xi32, #tpu.memory_space<vmem>>) semaphore(%arg7 : memref<!tpu.dma_semaphore, #tpu.memory_space<semaphore_mem>>)
    %dma_start3A_215 = arith.constant 13 : i32
    %dma_start3A_216 = arith.constant 640 : i32
    %dma_start3A_217 = arith.constant 0 : i32
    %dma_start3A_218 = tpu.memref_slice %arg6[%dma_start3A_216, %dma_start3A_217] : memref<1024x64xf32, #tpu.memory_space<vmem>> -> memref<128x64xf32, #tpu.memory_space<vmem>>
    %dma_start3A_219 = arith.constant 0 : i32
    %dma_start3A_220 = tpu.memref_slice %arg5[%dma_start3A_215, %dma_start3A_219] : memref<16x128xi32, #tpu.memory_space<vmem>> -> memref<1x128xi32, #tpu.memory_space<vmem>>
    %dma_start3A_221 = tpu.memref_squeeze %dma_start3A_220 : memref<1x128xi32, #tpu.memory_space<vmem>> -> memref<128xi32, #tpu.memory_space<vmem>>
    %dma_start3A_222 = arith.constant 0 : i32
    %dma_start3A_223 = arith.constant 0 : i32
    %dma_start3A_224 = tpu.memref_slice %arg2[%dma_start3A_222, %dma_start3A_223] : memref<16384x64xf32, #tpu.memory_space<hbm>> -> memref<16384x64xf32, #tpu.memory_space<hbm>>
    tpu.enqueue_indirect_dma source(%dma_start3A_224 : memref<16384x64xf32, #tpu.memory_space<hbm>>) target(%dma_start3A_218 : memref<128x64xf32, #tpu.memory_space<vmem>>) offsets(%dma_start3A_221 : memref<128xi32, #tpu.memory_space<vmem>>) semaphore(%arg7 : memref<!tpu.dma_semaphore, #tpu.memory_space<semaphore_mem>>)
    %dma_start3A_225 = arith.constant 14 : i32
    %dma_start3A_226 = arith.constant 768 : i32
    %dma_start3A_227 = arith.constant 0 : i32
    %dma_start3A_228 = tpu.memref_slice %arg6[%dma_start3A_226, %dma_start3A_227] : memref<1024x64xf32, #tpu.memory_space<vmem>> -> memref<128x64xf32, #tpu.memory_space<vmem>>
    %dma_start3A_229 = arith.constant 0 : i32
    %dma_start3A_230 = tpu.memref_slice %arg5[%dma_start3A_225, %dma_start3A_229] : memref<16x128xi32, #tpu.memory_space<vmem>> -> memref<1x128xi32, #tpu.memory_space<vmem>>
    %dma_start3A_231 = tpu.memref_squeeze %dma_start3A_230 : memref<1x128xi32, #tpu.memory_space<vmem>> -> memref<128xi32, #tpu.memory_space<vmem>>
    %dma_start3A_232 = arith.constant 0 : i32
    %dma_start3A_233 = arith.constant 0 : i32
    %dma_start3A_234 = tpu.memref_slice %arg2[%dma_start3A_232, %dma_start3A_233] : memref<16384x64xf32, #tpu.memory_space<hbm>> -> memref<16384x64xf32, #tpu.memory_space<hbm>>
    tpu.enqueue_indirect_dma source(%dma_start3A_234 : memref<16384x64xf32, #tpu.memory_space<hbm>>) target(%dma_start3A_228 : memref<128x64xf32, #tpu.memory_space<vmem>>) offsets(%dma_start3A_231 : memref<128xi32, #tpu.memory_space<vmem>>) semaphore(%arg7 : memref<!tpu.dma_semaphore, #tpu.memory_space<semaphore_mem>>)
    %dma_start3A_235 = arith.constant 15 : i32
    %dma_start3A_236 = arith.constant 896 : i32
    %dma_start3A_237 = arith.constant 0 : i32
    %dma_start3A_238 = tpu.memref_slice %arg6[%dma_start3A_236, %dma_start3A_237] : memref<1024x64xf32, #tpu.memory_space<vmem>> -> memref<128x64xf32, #tpu.memory_space<vmem>>
    %dma_start3A_239 = arith.constant 0 : i32
    %dma_start3A_240 = tpu.memref_slice %arg5[%dma_start3A_235, %dma_start3A_239] : memref<16x128xi32, #tpu.memory_space<vmem>> -> memref<1x128xi32, #tpu.memory_space<vmem>>
    %dma_start3A_241 = tpu.memref_squeeze %dma_start3A_240 : memref<1x128xi32, #tpu.memory_space<vmem>> -> memref<128xi32, #tpu.memory_space<vmem>>
    %dma_start3A_242 = arith.constant 0 : i32
    %dma_start3A_243 = arith.constant 0 : i32
    %dma_start3A_244 = tpu.memref_slice %arg2[%dma_start3A_242, %dma_start3A_243] : memref<16384x64xf32, #tpu.memory_space<hbm>> -> memref<16384x64xf32, #tpu.memory_space<hbm>>
    tpu.enqueue_indirect_dma source(%dma_start3A_244 : memref<16384x64xf32, #tpu.memory_space<hbm>>) target(%dma_start3A_238 : memref<128x64xf32, #tpu.memory_space<vmem>>) offsets(%dma_start3A_241 : memref<128xi32, #tpu.memory_space<vmem>>) semaphore(%arg7 : memref<!tpu.dma_semaphore, #tpu.memory_space<semaphore_mem>>)
    %dma_wait3A_245 = arith.constant 8 : i32
    %dma_wait3A_246 = arith.constant 0 : i32
    %dma_wait3A_247 = arith.constant 0 : i32
    %dma_wait3A_248 = tpu.memref_slice %arg6[%dma_wait3A_246, %dma_wait3A_247] : memref<1024x64xf32, #tpu.memory_space<vmem>> -> memref<128x64xf32, #tpu.memory_space<vmem>>
    %dma_wait3A_249 = arith.constant 0 : i32
    %dma_wait3A_250 = tpu.memref_slice %arg5[%dma_wait3A_245, %dma_wait3A_249] : memref<16x128xi32, #tpu.memory_space<vmem>> -> memref<1x128xi32, #tpu.memory_space<vmem>>
    %dma_wait3A_251 = tpu.memref_squeeze %dma_wait3A_250 : memref<1x128xi32, #tpu.memory_space<vmem>> -> memref<128xi32, #tpu.memory_space<vmem>>
    %dma_wait3A_252 = arith.constant 0 : i32
    %dma_wait3A_253 = arith.constant 0 : i32
    %dma_wait3A_254 = tpu.memref_slice %arg2[%dma_wait3A_252, %dma_wait3A_253] : memref<16384x64xf32, #tpu.memory_space<hbm>> -> memref<16384x64xf32, #tpu.memory_space<hbm>>
    tpu.wait_indirect_dma semaphore(%arg7 : memref<!tpu.dma_semaphore, #tpu.memory_space<semaphore_mem>>) src(%dma_wait3A_254 : memref<16384x64xf32, #tpu.memory_space<hbm>>) dst(%dma_wait3A_248 : memref<128x64xf32, #tpu.memory_space<vmem>>)
    %dma_wait3A_255 = arith.constant 9 : i32
    %dma_wait3A_256 = arith.constant 128 : i32
    %dma_wait3A_257 = arith.constant 0 : i32
    %dma_wait3A_258 = tpu.memref_slice %arg6[%dma_wait3A_256, %dma_wait3A_257] : memref<1024x64xf32, #tpu.memory_space<vmem>> -> memref<128x64xf32, #tpu.memory_space<vmem>>
    %dma_wait3A_259 = arith.constant 0 : i32
    %dma_wait3A_260 = tpu.memref_slice %arg5[%dma_wait3A_255, %dma_wait3A_259] : memref<16x128xi32, #tpu.memory_space<vmem>> -> memref<1x128xi32, #tpu.memory_space<vmem>>
    %dma_wait3A_261 = tpu.memref_squeeze %dma_wait3A_260 : memref<1x128xi32, #tpu.memory_space<vmem>> -> memref<128xi32, #tpu.memory_space<vmem>>
    %dma_wait3A_262 = arith.constant 0 : i32
    %dma_wait3A_263 = arith.constant 0 : i32
    %dma_wait3A_264 = tpu.memref_slice %arg2[%dma_wait3A_262, %dma_wait3A_263] : memref<16384x64xf32, #tpu.memory_space<hbm>> -> memref<16384x64xf32, #tpu.memory_space<hbm>>
    tpu.wait_indirect_dma semaphore(%arg7 : memref<!tpu.dma_semaphore, #tpu.memory_space<semaphore_mem>>) src(%dma_wait3A_264 : memref<16384x64xf32, #tpu.memory_space<hbm>>) dst(%dma_wait3A_258 : memref<128x64xf32, #tpu.memory_space<vmem>>)
    %dma_wait3A_265 = arith.constant 10 : i32
    %dma_wait3A_266 = arith.constant 256 : i32
    %dma_wait3A_267 = arith.constant 0 : i32
    %dma_wait3A_268 = tpu.memref_slice %arg6[%dma_wait3A_266, %dma_wait3A_267] : memref<1024x64xf32, #tpu.memory_space<vmem>> -> memref<128x64xf32, #tpu.memory_space<vmem>>
    %dma_wait3A_269 = arith.constant 0 : i32
    %dma_wait3A_270 = tpu.memref_slice %arg5[%dma_wait3A_265, %dma_wait3A_269] : memref<16x128xi32, #tpu.memory_space<vmem>> -> memref<1x128xi32, #tpu.memory_space<vmem>>
    %dma_wait3A_271 = tpu.memref_squeeze %dma_wait3A_270 : memref<1x128xi32, #tpu.memory_space<vmem>> -> memref<128xi32, #tpu.memory_space<vmem>>
    %dma_wait3A_272 = arith.constant 0 : i32
    %dma_wait3A_273 = arith.constant 0 : i32
    %dma_wait3A_274 = tpu.memref_slice %arg2[%dma_wait3A_272, %dma_wait3A_273] : memref<16384x64xf32, #tpu.memory_space<hbm>> -> memref<16384x64xf32, #tpu.memory_space<hbm>>
    tpu.wait_indirect_dma semaphore(%arg7 : memref<!tpu.dma_semaphore, #tpu.memory_space<semaphore_mem>>) src(%dma_wait3A_274 : memref<16384x64xf32, #tpu.memory_space<hbm>>) dst(%dma_wait3A_268 : memref<128x64xf32, #tpu.memory_space<vmem>>)
    %dma_wait3A_275 = arith.constant 11 : i32
    %dma_wait3A_276 = arith.constant 384 : i32
    %dma_wait3A_277 = arith.constant 0 : i32
    %dma_wait3A_278 = tpu.memref_slice %arg6[%dma_wait3A_276, %dma_wait3A_277] : memref<1024x64xf32, #tpu.memory_space<vmem>> -> memref<128x64xf32, #tpu.memory_space<vmem>>
    %dma_wait3A_279 = arith.constant 0 : i32
    %dma_wait3A_280 = tpu.memref_slice %arg5[%dma_wait3A_275, %dma_wait3A_279] : memref<16x128xi32, #tpu.memory_space<vmem>> -> memref<1x128xi32, #tpu.memory_space<vmem>>
    %dma_wait3A_281 = tpu.memref_squeeze %dma_wait3A_280 : memref<1x128xi32, #tpu.memory_space<vmem>> -> memref<128xi32, #tpu.memory_space<vmem>>
    %dma_wait3A_282 = arith.constant 0 : i32
    %dma_wait3A_283 = arith.constant 0 : i32
    %dma_wait3A_284 = tpu.memref_slice %arg2[%dma_wait3A_282, %dma_wait3A_283] : memref<16384x64xf32, #tpu.memory_space<hbm>> -> memref<16384x64xf32, #tpu.memory_space<hbm>>
    tpu.wait_indirect_dma semaphore(%arg7 : memref<!tpu.dma_semaphore, #tpu.memory_space<semaphore_mem>>) src(%dma_wait3A_284 : memref<16384x64xf32, #tpu.memory_space<hbm>>) dst(%dma_wait3A_278 : memref<128x64xf32, #tpu.memory_space<vmem>>)
    %dma_wait3A_285 = arith.constant 12 : i32
    %dma_wait3A_286 = arith.constant 512 : i32
    %dma_wait3A_287 = arith.constant 0 : i32
    %dma_wait3A_288 = tpu.memref_slice %arg6[%dma_wait3A_286, %dma_wait3A_287] : memref<1024x64xf32, #tpu.memory_space<vmem>> -> memref<128x64xf32, #tpu.memory_space<vmem>>
    %dma_wait3A_289 = arith.constant 0 : i32
    %dma_wait3A_290 = tpu.memref_slice %arg5[%dma_wait3A_285, %dma_wait3A_289] : memref<16x128xi32, #tpu.memory_space<vmem>> -> memref<1x128xi32, #tpu.memory_space<vmem>>
    %dma_wait3A_291 = tpu.memref_squeeze %dma_wait3A_290 : memref<1x128xi32, #tpu.memory_space<vmem>> -> memref<128xi32, #tpu.memory_space<vmem>>
    %dma_wait3A_292 = arith.constant 0 : i32
    %dma_wait3A_293 = arith.constant 0 : i32
    %dma_wait3A_294 = tpu.memref_slice %arg2[%dma_wait3A_292, %dma_wait3A_293] : memref<16384x64xf32, #tpu.memory_space<hbm>> -> memref<16384x64xf32, #tpu.memory_space<hbm>>
    tpu.wait_indirect_dma semaphore(%arg7 : memref<!tpu.dma_semaphore, #tpu.memory_space<semaphore_mem>>) src(%dma_wait3A_294 : memref<16384x64xf32, #tpu.memory_space<hbm>>) dst(%dma_wait3A_288 : memref<128x64xf32, #tpu.memory_space<vmem>>)
    %dma_wait3A_295 = arith.constant 13 : i32
    %dma_wait3A_296 = arith.constant 640 : i32
    %dma_wait3A_297 = arith.constant 0 : i32
    %dma_wait3A_298 = tpu.memref_slice %arg6[%dma_wait3A_296, %dma_wait3A_297] : memref<1024x64xf32, #tpu.memory_space<vmem>> -> memref<128x64xf32, #tpu.memory_space<vmem>>
    %dma_wait3A_299 = arith.constant 0 : i32
    %dma_wait3A_300 = tpu.memref_slice %arg5[%dma_wait3A_295, %dma_wait3A_299] : memref<16x128xi32, #tpu.memory_space<vmem>> -> memref<1x128xi32, #tpu.memory_space<vmem>>
    %dma_wait3A_301 = tpu.memref_squeeze %dma_wait3A_300 : memref<1x128xi32, #tpu.memory_space<vmem>> -> memref<128xi32, #tpu.memory_space<vmem>>
    %dma_wait3A_302 = arith.constant 0 : i32
    %dma_wait3A_303 = arith.constant 0 : i32
    %dma_wait3A_304 = tpu.memref_slice %arg2[%dma_wait3A_302, %dma_wait3A_303] : memref<16384x64xf32, #tpu.memory_space<hbm>> -> memref<16384x64xf32, #tpu.memory_space<hbm>>
    tpu.wait_indirect_dma semaphore(%arg7 : memref<!tpu.dma_semaphore, #tpu.memory_space<semaphore_mem>>) src(%dma_wait3A_304 : memref<16384x64xf32, #tpu.memory_space<hbm>>) dst(%dma_wait3A_298 : memref<128x64xf32, #tpu.memory_space<vmem>>)
    %dma_wait3A_305 = arith.constant 14 : i32
    %dma_wait3A_306 = arith.constant 768 : i32
    %dma_wait3A_307 = arith.constant 0 : i32
    %dma_wait3A_308 = tpu.memref_slice %arg6[%dma_wait3A_306, %dma_wait3A_307] : memref<1024x64xf32, #tpu.memory_space<vmem>> -> memref<128x64xf32, #tpu.memory_space<vmem>>
    %dma_wait3A_309 = arith.constant 0 : i32
    %dma_wait3A_310 = tpu.memref_slice %arg5[%dma_wait3A_305, %dma_wait3A_309] : memref<16x128xi32, #tpu.memory_space<vmem>> -> memref<1x128xi32, #tpu.memory_space<vmem>>
    %dma_wait3A_311 = tpu.memref_squeeze %dma_wait3A_310 : memref<1x128xi32, #tpu.memory_space<vmem>> -> memref<128xi32, #tpu.memory_space<vmem>>
    %dma_wait3A_312 = arith.constant 0 : i32
    %dma_wait3A_313 = arith.constant 0 : i32
    %dma_wait3A_314 = tpu.memref_slice %arg2[%dma_wait3A_312, %dma_wait3A_313] : memref<16384x64xf32, #tpu.memory_space<hbm>> -> memref<16384x64xf32, #tpu.memory_space<hbm>>
    tpu.wait_indirect_dma semaphore(%arg7 : memref<!tpu.dma_semaphore, #tpu.memory_space<semaphore_mem>>) src(%dma_wait3A_314 : memref<16384x64xf32, #tpu.memory_space<hbm>>) dst(%dma_wait3A_308 : memref<128x64xf32, #tpu.memory_space<vmem>>)
    %dma_wait3A_315 = arith.constant 15 : i32
    %dma_wait3A_316 = arith.constant 896 : i32
    %dma_wait3A_317 = arith.constant 0 : i32
    %dma_wait3A_318 = tpu.memref_slice %arg6[%dma_wait3A_316, %dma_wait3A_317] : memref<1024x64xf32, #tpu.memory_space<vmem>> -> memref<128x64xf32, #tpu.memory_space<vmem>>
    %dma_wait3A_319 = arith.constant 0 : i32
    %dma_wait3A_320 = tpu.memref_slice %arg5[%dma_wait3A_315, %dma_wait3A_319] : memref<16x128xi32, #tpu.memory_space<vmem>> -> memref<1x128xi32, #tpu.memory_space<vmem>>
    %dma_wait3A_321 = tpu.memref_squeeze %dma_wait3A_320 : memref<1x128xi32, #tpu.memory_space<vmem>> -> memref<128xi32, #tpu.memory_space<vmem>>
    %dma_wait3A_322 = arith.constant 0 : i32
    %dma_wait3A_323 = arith.constant 0 : i32
    %dma_wait3A_324 = tpu.memref_slice %arg2[%dma_wait3A_322, %dma_wait3A_323] : memref<16384x64xf32, #tpu.memory_space<hbm>> -> memref<16384x64xf32, #tpu.memory_space<hbm>>
    tpu.wait_indirect_dma semaphore(%arg7 : memref<!tpu.dma_semaphore, #tpu.memory_space<semaphore_mem>>) src(%dma_wait3A_324 : memref<16384x64xf32, #tpu.memory_space<hbm>>) dst(%dma_wait3A_318 : memref<128x64xf32, #tpu.memory_space<vmem>>)
    %add3A_325 = arith.constant 1024 : i32
    %add3A_326 = arith.addi %mul3A_2, %add3A_325 : i32
    "tpu.region"() ({
      %run_scoped3A = tpu.sem_alloc : memref<!tpu.dma_semaphore, #tpu.memory_space<semaphore_mem>>
      %dma_start3A_327 = arith.constant 0 : i32
      %dma_start3A_328 = tpu.memref_slice %arg4[%add3A_326, %dma_start3A_327] : memref<65536x64xf32, #tpu.memory_space<hbm>> -> memref<1024x64xf32, #tpu.memory_space<hbm>>
      %dma_start3A_329 = arith.constant 0 : i32
      %dma_start3A_330 = tpu.memref_slice %arg4[%add3A_326, %dma_start3A_329] : memref<65536x64xf32, #tpu.memory_space<hbm>> -> memref<1024x64xf32, #tpu.memory_space<hbm>>
      tpu.enqueue_dma source(%arg6 : memref<1024x64xf32, #tpu.memory_space<vmem>>) target(%dma_start3A_330 : memref<1024x64xf32, #tpu.memory_space<hbm>>) target_semaphore(%run_scoped3A : memref<!tpu.dma_semaphore, #tpu.memory_space<semaphore_mem>>)
      %dma_wait3A_331 = arith.constant 0 : i32
      %dma_wait3A_332 = tpu.memref_slice %arg4[%add3A_326, %dma_wait3A_331] : memref<65536x64xf32, #tpu.memory_space<hbm>> -> memref<1024x64xf32, #tpu.memory_space<hbm>>
      %dma_wait3A_333 = arith.constant 0 : i32
      %dma_wait3A_334 = tpu.memref_slice %arg4[%add3A_326, %dma_wait3A_333] : memref<65536x64xf32, #tpu.memory_space<hbm>> -> memref<1024x64xf32, #tpu.memory_space<hbm>>
      tpu.wait_dma2 semaphore(%run_scoped3A : memref<!tpu.dma_semaphore, #tpu.memory_space<semaphore_mem>>) src(%arg6 : memref<1024x64xf32, #tpu.memory_space<vmem>>) dst(%dma_wait3A_334 : memref<1024x64xf32, #tpu.memory_space<hbm>>)
      tpu.yield
    }) : () -> ()
    return
  }
}

module attributes {stable_mosaic.version = 14 : i64} {
  func.func @_fps_body(%arg0: memref<24x2048xf32, #tpu.memory_space<vmem>>, %arg1: memref<24x512xf32, #tpu.memory_space<vmem>>, %arg2: memref<8x2048xf32, #tpu.memory_space<vmem>>) attributes {dimension_semantics = [], scalar_prefetch = 0 : i64, scratch_operands = 1 : i64, tpu.core_type = #tpu.core_type<tc>} {
    %get3A = arith.constant 0 : index
    %get3A_0 = arith.constant 0 : index
    %get3A_1 = vector.load %arg0[%get3A, %get3A_0] : memref<24x2048xf32, #tpu.memory_space<vmem>>, vector<24x2048xf32>
    %slice3A = vector.extract_strided_slice %get3A_1 {offsets = [0, 0], sizes = [8, 2048], strides = [1, 1]} : vector<24x2048xf32> to vector<8x2048xf32>
    %slice3A_2 = vector.extract_strided_slice %get3A_1 {offsets = [8, 0], sizes = [8, 2048], strides = [1, 1]} : vector<24x2048xf32> to vector<8x2048xf32>
    %slice3A_3 = vector.extract_strided_slice %get3A_1 {offsets = [16, 0], sizes = [8, 2048], strides = [1, 1]} : vector<24x2048xf32> to vector<8x2048xf32>
    %iota3A = tpu.iota {dimensions = array<i32: 1>} : vector<8x2048xi32>
    %iota3A_4 = tpu.iota {dimensions = array<i32: 1>} : vector<24x512xi32>
    %slice3A_5 = vector.extract_strided_slice %get3A_1 {offsets = [0, 0], sizes = [24, 1], strides = [1, 1]} : vector<24x2048xf32> to vector<24x1xf32>
    %eq3A = arith.constant 0 : i32
    %eq3A_6 = vector.broadcast %eq3A : i32 to vector<24x512xi32>
    %eq3A_7 = arith.cmpi eq, %iota3A_4, %eq3A_6 : vector<24x512xi32>
    %jit3A = arith.constant 0.000000e+00 : f32
    %broadcast_in_dim3A = vector.shape_cast %slice3A_5 : vector<24x1xf32> to vector<24x1xf32>
    %broadcast_in_dim3A_8 = vector.broadcast %broadcast_in_dim3A : vector<24x1xf32> to vector<24x512xf32>
    %broadcast_in_dim3A_9 = vector.broadcast %jit3A : f32 to vector<24x512xf32>
    %select_n3A = arith.select %eq3A_7, %broadcast_in_dim3A_8, %broadcast_in_dim3A_9 : vector<24x512xi1>, vector<24x512xf32>
    %broadcast_in_dim3A_10 = arith.constant 0x7F800000 : f32
    %broadcast_in_dim3A_11 = vector.broadcast %broadcast_in_dim3A_10 : f32 to vector<8x2048xf32>
    %swap3A = arith.constant 0 : index
    %swap3A_12 = arith.constant 0 : index
    %swap3A_13 = vector.load %arg2[%swap3A, %swap3A_12] : memref<8x2048xf32, #tpu.memory_space<vmem>>, vector<8x2048xf32>
    tpu.vector_store %arg2[%swap3A, %swap3A_12], %broadcast_in_dim3A_11 {strides = array<i32>} : memref<8x2048xf32, #tpu.memory_space<vmem>>, vector<8x2048xf32>,
    %scan3A = arith.constant 1 : i32
    %scan3A_14 = arith.constant 511 : i32
    %scan3A_15 = arith.addi %scan3A, %scan3A_14 : i32
    %scan3A_16 = arith.constant 1 : i32
    %scan3A_17:2 = scf.for %scan3A_22 = %scan3A to %scan3A_15 step %scan3A_16 iter_args(%scan3A_23 = %slice3A_5, %scan3A_24 = %select_n3A) -> (vector<24x1xf32>, vector<24x512xf32>)  : i32 {
      %slice3A_25 = vector.extract_strided_slice %scan3A_23 {offsets = [0, 0], sizes = [8, 1], strides = [1, 1]} : vector<24x1xf32> to vector<8x1xf32>
      %sub3A = vector.broadcast %slice3A_25 : vector<8x1xf32> to vector<8x2048xf32>
      %sub3A_26 = arith.subf %slice3A, %sub3A : vector<8x2048xf32>
      %slice3A_27 = vector.extract_strided_slice %scan3A_23 {offsets = [8, 0], sizes = [8, 1], strides = [1, 1]} : vector<24x1xf32> to vector<8x1xf32>
      %sub3A_28 = vector.broadcast %slice3A_27 : vector<8x1xf32> to vector<8x2048xf32>
      %sub3A_29 = arith.subf %slice3A_2, %sub3A_28 : vector<8x2048xf32>
      %slice3A_30 = vector.extract_strided_slice %scan3A_23 {offsets = [16, 0], sizes = [8, 1], strides = [1, 1]} : vector<24x1xf32> to vector<8x1xf32>
      %sub3A_31 = vector.broadcast %slice3A_30 : vector<8x1xf32> to vector<8x2048xf32>
      %sub3A_32 = arith.subf %slice3A_3, %sub3A_31 : vector<8x2048xf32>
      %mul3A = arith.mulf %sub3A_26, %sub3A_26 : vector<8x2048xf32>
      %mul3A_33 = arith.mulf %sub3A_29, %sub3A_29 : vector<8x2048xf32>
      %add3A = arith.addf %mul3A, %mul3A_33 : vector<8x2048xf32>
      %mul3A_34 = arith.mulf %sub3A_32, %sub3A_32 : vector<8x2048xf32>
      %add3A_35 = arith.addf %add3A, %mul3A_34 : vector<8x2048xf32>
      %get3A_36 = arith.constant 0 : index
      %get3A_37 = arith.constant 0 : index
      %get3A_38 = vector.load %arg2[%get3A_36, %get3A_37] : memref<8x2048xf32, #tpu.memory_space<vmem>>, vector<8x2048xf32>
      %min3A = arith.minimumf %get3A_38, %add3A_35 : vector<8x2048xf32>
      %swap3A_39 = arith.constant 0 : index
      %swap3A_40 = arith.constant 0 : index
      %swap3A_41 = vector.load %arg2[%swap3A_39, %swap3A_40] : memref<8x2048xf32, #tpu.memory_space<vmem>>, vector<8x2048xf32>
      tpu.vector_store %arg2[%swap3A_39, %swap3A_40], %min3A {strides = array<i32>} : memref<8x2048xf32, #tpu.memory_space<vmem>>, vector<8x2048xf32>,
      %reduce_max3A = arith.constant dense<0xFF800000> : vector<8xf32>
      %reduce_max3A_42 = vector.multi_reduction <maximumf>, %min3A, %reduce_max3A [1] : vector<8x2048xf32> to vector<8xf32>
      %broadcast_in_dim3A_43 = vector.shape_cast %reduce_max3A_42 : vector<8xf32> to vector<8x1xf32>
      %eq3A_44 = vector.broadcast %broadcast_in_dim3A_43 : vector<8x1xf32> to vector<8x2048xf32>
      %eq3A_45 = arith.cmpf oeq, %min3A, %eq3A_44 : vector<8x2048xf32>
      %jit3A_46 = arith.constant 2048 : i32
      %broadcast_in_dim3A_47 = vector.broadcast %jit3A_46 : i32 to vector<8x2048xi32>
      %select_n3A_48 = arith.select %eq3A_45, %iota3A, %broadcast_in_dim3A_47 : vector<8x2048xi1>, vector<8x2048xi32>
      %reduce_min3A = arith.constant dense<2147483647> : vector<8xi32>
      %reduce_min3A_49 = vector.multi_reduction <minsi>, %select_n3A_48, %reduce_min3A [1] : vector<8x2048xi32> to vector<8xi32>
      %broadcast_in_dim3A_50 = vector.shape_cast %reduce_min3A_49 : vector<8xi32> to vector<8x1xi32>
      %eq3A_51 = vector.broadcast %broadcast_in_dim3A_50 : vector<8x1xi32> to vector<8x2048xi32>
      %eq3A_52 = arith.cmpi eq, %iota3A, %eq3A_51 : vector<8x2048xi32>
      %concatenate3A = tpu.concatenate %eq3A_52, %eq3A_52, %eq3A_52 in 0 : vector<8x2048xi1>, vector<8x2048xi1>, vector<8x2048xi1> -> vector<24x2048xi1>
      %jit3A_53 = arith.constant 0.000000e+00 : f32
      %broadcast_in_dim3A_54 = vector.broadcast %jit3A_53 : f32 to vector<24x2048xf32>
      %select_n3A_55 = arith.select %concatenate3A, %get3A_1, %broadcast_in_dim3A_54 : vector<24x2048xi1>, vector<24x2048xf32>
      %reduce_sum3A = arith.constant dense<0.000000e+00> : vector<24xf32>
      %reduce_sum3A_56 = vector.multi_reduction <add>, %select_n3A_55, %reduce_sum3A [1] : vector<24x2048xf32> to vector<24xf32>
      %broadcast_in_dim3A_57 = vector.shape_cast %reduce_sum3A_56 : vector<24xf32> to vector<24x1xf32>
      %eq3A_58 = vector.broadcast %scan3A_22 : i32 to vector<24x512xi32>
      %eq3A_59 = arith.cmpi eq, %iota3A_4, %eq3A_58 : vector<24x512xi32>
      %broadcast_in_dim3A_60 = vector.shape_cast %broadcast_in_dim3A_57 : vector<24x1xf32> to vector<24x1xf32>
      %broadcast_in_dim3A_61 = vector.broadcast %broadcast_in_dim3A_60 : vector<24x1xf32> to vector<24x512xf32>
      %select_n3A_62 = arith.select %eq3A_59, %broadcast_in_dim3A_61, %scan3A_24 : vector<24x512xi1>, vector<24x512xf32>
      scf.yield %broadcast_in_dim3A_57, %select_n3A_62 : vector<24x1xf32>, vector<24x512xf32>
    }
    %scan3A_18 = arith.constant 511 : i32
    %swap3A_19 = arith.constant 0 : index
    %swap3A_20 = arith.constant 0 : index
    %swap3A_21 = vector.load %arg1[%swap3A_19, %swap3A_20] : memref<24x512xf32, #tpu.memory_space<vmem>>, vector<24x512xf32>
    tpu.vector_store %arg1[%swap3A_19, %swap3A_20], %scan3A_17#1 {strides = array<i32>} : memref<24x512xf32, #tpu.memory_space<vmem>>, vector<24x512xf32>,
    return
  }
}

module attributes {stable_mosaic.version = 14 : i64} {
  func.func @_knn_body(%arg0: i32, %arg1: memref<1x512x1xf32, #tpu.memory_space<vmem>>, %arg2: memref<1x512x1xf32, #tpu.memory_space<vmem>>, %arg3: memref<1x512x1xf32, #tpu.memory_space<vmem>>, %arg4: memref<1x1x2048xf32, #tpu.memory_space<vmem>>, %arg5: memref<1x1x2048xf32, #tpu.memory_space<vmem>>, %arg6: memref<1x1x2048xf32, #tpu.memory_space<vmem>>, %arg7: memref<1x512x16xi32, #tpu.memory_space<vmem>>, %arg8: memref<512x1024xf32, #tpu.memory_space<vmem>>, %arg9: memref<512x1024xf32, #tpu.memory_space<vmem>>, %arg10: memref<512x1024xi32, #tpu.memory_space<vmem>>) attributes {dimension_semantics = [#tpu.dimension_semantics<arbitrary>], iteration_bounds = array<i64: 8>, scalar_prefetch = 0 : i64, scratch_operands = 3 : i64, tpu.core_type = #tpu.core_type<tc>, window_params = [{transform_indices = @transform_0, window_bounds = array<i64: 1, 512, 1>}, {transform_indices = @transform_1, window_bounds = array<i64: 1, 512, 1>}, {transform_indices = @transform_2, window_bounds = array<i64: 1, 512, 1>}, {transform_indices = @transform_3, window_bounds = array<i64: 1, 1, 2048>}, {transform_indices = @transform_4, window_bounds = array<i64: 1, 1, 2048>}, {transform_indices = @transform_5, window_bounds = array<i64: 1, 1, 2048>}, {transform_indices = @transform_6, window_bounds = array<i64: 1, 512, 16>}]} {
    %get3A = arith.constant 0 : index
    %get3A_0 = arith.constant 0 : index
    %get3A_1 = arith.constant 0 : index
    %get3A_2 = vector.load %arg1[%get3A, %get3A_0, %get3A_1] : memref<1x512x1xf32, #tpu.memory_space<vmem>>, vector<1x512x1xf32>
    %get3A_3 = vector.shape_cast %get3A_2 : vector<1x512x1xf32> to vector<512x1xf32>
    %get3A_4 = arith.constant 0 : index
    %get3A_5 = arith.constant 0 : index
    %get3A_6 = arith.constant 0 : index
    %get3A_7 = vector.load %arg2[%get3A_4, %get3A_5, %get3A_6] : memref<1x512x1xf32, #tpu.memory_space<vmem>>, vector<1x512x1xf32>
    %get3A_8 = vector.shape_cast %get3A_7 : vector<1x512x1xf32> to vector<512x1xf32>
    %get3A_9 = arith.constant 0 : index
    %get3A_10 = arith.constant 0 : index
    %get3A_11 = arith.constant 0 : index
    %get3A_12 = vector.load %arg3[%get3A_9, %get3A_10, %get3A_11] : memref<1x512x1xf32, #tpu.memory_space<vmem>>, vector<1x512x1xf32>
    %get3A_13 = vector.shape_cast %get3A_12 : vector<1x512x1xf32> to vector<512x1xf32>
    %get3A_14 = arith.constant 0 : index
    %get3A_15 = arith.constant 0 : index
    %get3A_16 = arith.constant 0 : index
    %get3A_17 = vector.load %arg4[%get3A_14, %get3A_15, %get3A_16] : memref<1x1x2048xf32, #tpu.memory_space<vmem>>, vector<1x1x2048xf32>
    %get3A_18 = vector.shape_cast %get3A_17 : vector<1x1x2048xf32> to vector<1x2048xf32>
    %get3A_19 = arith.constant 0 : index
    %get3A_20 = arith.constant 0 : index
    %get3A_21 = arith.constant 0 : index
    %get3A_22 = vector.load %arg5[%get3A_19, %get3A_20, %get3A_21] : memref<1x1x2048xf32, #tpu.memory_space<vmem>>, vector<1x1x2048xf32>
    %get3A_23 = vector.shape_cast %get3A_22 : vector<1x1x2048xf32> to vector<1x2048xf32>
    %get3A_24 = arith.constant 0 : index
    %get3A_25 = arith.constant 0 : index
    %get3A_26 = arith.constant 0 : index
    %get3A_27 = vector.load %arg6[%get3A_24, %get3A_25, %get3A_26] : memref<1x1x2048xf32, #tpu.memory_space<vmem>>, vector<1x1x2048xf32>
    %get3A_28 = vector.shape_cast %get3A_27 : vector<1x1x2048xf32> to vector<1x2048xf32>
    %slice3A = vector.extract_strided_slice %get3A_18 {offsets = [0, 0], sizes = [1, 1024], strides = [1, 1]} : vector<1x2048xf32> to vector<1x1024xf32>
    %sub3A = vector.broadcast %get3A_3 : vector<512x1xf32> to vector<512x1024xf32>
    %sub3A_29 = vector.broadcast %slice3A : vector<1x1024xf32> to vector<512x1024xf32>
    %sub3A_30 = arith.subf %sub3A, %sub3A_29 : vector<512x1024xf32>
    %slice3A_31 = vector.extract_strided_slice %get3A_23 {offsets = [0, 0], sizes = [1, 1024], strides = [1, 1]} : vector<1x2048xf32> to vector<1x1024xf32>
    %sub3A_32 = vector.broadcast %get3A_8 : vector<512x1xf32> to vector<512x1024xf32>
    %sub3A_33 = vector.broadcast %slice3A_31 : vector<1x1024xf32> to vector<512x1024xf32>
    %sub3A_34 = arith.subf %sub3A_32, %sub3A_33 : vector<512x1024xf32>
    %slice3A_35 = vector.extract_strided_slice %get3A_28 {offsets = [0, 0], sizes = [1, 1024], strides = [1, 1]} : vector<1x2048xf32> to vector<1x1024xf32>
    %sub3A_36 = vector.broadcast %get3A_13 : vector<512x1xf32> to vector<512x1024xf32>
    %sub3A_37 = vector.broadcast %slice3A_35 : vector<1x1024xf32> to vector<512x1024xf32>
    %sub3A_38 = arith.subf %sub3A_36, %sub3A_37 : vector<512x1024xf32>
    %mul3A = arith.mulf %sub3A_30, %sub3A_30 : vector<512x1024xf32>
    %mul3A_39 = arith.mulf %sub3A_34, %sub3A_34 : vector<512x1024xf32>
    %add3A = arith.addf %mul3A, %mul3A_39 : vector<512x1024xf32>
    %mul3A_40 = arith.mulf %sub3A_38, %sub3A_38 : vector<512x1024xf32>
    %add3A_41 = arith.addf %add3A, %mul3A_40 : vector<512x1024xf32>
    %slice3A_42 = vector.extract_strided_slice %get3A_18 {offsets = [0, 1024], sizes = [1, 1024], strides = [1, 1]} : vector<1x2048xf32> to vector<1x1024xf32>
    %sub3A_43 = vector.broadcast %get3A_3 : vector<512x1xf32> to vector<512x1024xf32>
    %sub3A_44 = vector.broadcast %slice3A_42 : vector<1x1024xf32> to vector<512x1024xf32>
    %sub3A_45 = arith.subf %sub3A_43, %sub3A_44 : vector<512x1024xf32>
    %slice3A_46 = vector.extract_strided_slice %get3A_23 {offsets = [0, 1024], sizes = [1, 1024], strides = [1, 1]} : vector<1x2048xf32> to vector<1x1024xf32>
    %sub3A_47 = vector.broadcast %get3A_8 : vector<512x1xf32> to vector<512x1024xf32>
    %sub3A_48 = vector.broadcast %slice3A_46 : vector<1x1024xf32> to vector<512x1024xf32>
    %sub3A_49 = arith.subf %sub3A_47, %sub3A_48 : vector<512x1024xf32>
    %slice3A_50 = vector.extract_strided_slice %get3A_28 {offsets = [0, 1024], sizes = [1, 1024], strides = [1, 1]} : vector<1x2048xf32> to vector<1x1024xf32>
    %sub3A_51 = vector.broadcast %get3A_13 : vector<512x1xf32> to vector<512x1024xf32>
    %sub3A_52 = vector.broadcast %slice3A_50 : vector<1x1024xf32> to vector<512x1024xf32>
    %sub3A_53 = arith.subf %sub3A_51, %sub3A_52 : vector<512x1024xf32>
    %mul3A_54 = arith.mulf %sub3A_45, %sub3A_45 : vector<512x1024xf32>
    %mul3A_55 = arith.mulf %sub3A_49, %sub3A_49 : vector<512x1024xf32>
    %add3A_56 = arith.addf %mul3A_54, %mul3A_55 : vector<512x1024xf32>
    %mul3A_57 = arith.mulf %sub3A_53, %sub3A_53 : vector<512x1024xf32>
    %add3A_58 = arith.addf %add3A_56, %mul3A_57 : vector<512x1024xf32>
    %le3A = arith.cmpf ole, %add3A_41, %add3A_58 : vector<512x1024xf32>
    %iota3A = tpu.iota {dimensions = array<i32: 1>} : vector<512x1024xi32>
    %select_n3A = arith.select %le3A, %add3A_41, %add3A_58 : vector<512x1024xi1>, vector<512x1024xf32>
    %swap3A = arith.constant 0 : index
    %swap3A_59 = arith.constant 0 : index
    %swap3A_60 = vector.load %arg8[%swap3A, %swap3A_59] : memref<512x1024xf32, #tpu.memory_space<vmem>>, vector<512x1024xf32>
    tpu.vector_store %arg8[%swap3A, %swap3A_59], %select_n3A {strides = array<i32>} : memref<512x1024xf32, #tpu.memory_space<vmem>>, vector<512x1024xf32>,
    %select_n3A_61 = arith.select %le3A, %add3A_58, %add3A_41 : vector<512x1024xi1>, vector<512x1024xf32>
    %swap3A_62 = arith.constant 0 : index
    %swap3A_63 = arith.constant 0 : index
    %swap3A_64 = vector.load %arg9[%swap3A_62, %swap3A_63] : memref<512x1024xf32, #tpu.memory_space<vmem>>, vector<512x1024xf32>
    tpu.vector_store %arg9[%swap3A_62, %swap3A_63], %select_n3A_61 {strides = array<i32>} : memref<512x1024xf32, #tpu.memory_space<vmem>>, vector<512x1024xf32>,
    %add3A_65 = arith.constant 1024 : i32
    %add3A_66 = vector.broadcast %add3A_65 : i32 to vector<512x1024xi32>
    %add3A_67 = arith.addi %iota3A, %add3A_66 : vector<512x1024xi32>
    %select_n3A_68 = arith.select %le3A, %iota3A, %add3A_67 : vector<512x1024xi1>, vector<512x1024xi32>
    %swap3A_69 = arith.constant 0 : index
    %swap3A_70 = arith.constant 0 : index
    %swap3A_71 = vector.load %arg10[%swap3A_69, %swap3A_70] : memref<512x1024xi32, #tpu.memory_space<vmem>>, vector<512x1024xi32>
    tpu.vector_store %arg10[%swap3A_69, %swap3A_70], %select_n3A_68 {strides = array<i32>} : memref<512x1024xi32, #tpu.memory_space<vmem>>, vector<512x1024xi32>,
    %iota3A_72 = tpu.iota {dimensions = array<i32: 1>} : vector<512x16xi32>
    %mul3A_73 = arith.constant 2048 : i32
    %mul3A_74 = arith.muli %arg0, %mul3A_73 : i32
    %broadcast_in_dim3A = arith.constant 0 : i32
    %broadcast_in_dim3A_75 = vector.broadcast %broadcast_in_dim3A : i32 to vector<512x16xi32>
    %get3A_76 = arith.constant 0 : index
    %get3A_77 = arith.constant 0 : index
    %get3A_78 = vector.load %arg8[%get3A_76, %get3A_77] : memref<512x1024xf32, #tpu.memory_space<vmem>>, vector<512x1024xf32>
    %get3A_79 = arith.constant 0 : index
    %get3A_80 = arith.constant 0 : index
    %get3A_81 = vector.load %arg10[%get3A_79, %get3A_80] : memref<512x1024xi32, #tpu.memory_space<vmem>>, vector<512x1024xi32>
    %reduce_min3A = arith.constant dense<0x7F800000> : vector<512xf32>
    %reduce_min3A_82 = vector.multi_reduction <minimumf>, %get3A_78, %reduce_min3A [1] : vector<512x1024xf32> to vector<512xf32>
    %broadcast_in_dim3A_83 = vector.shape_cast %reduce_min3A_82 : vector<512xf32> to vector<512x1xf32>
    %eq3A = vector.broadcast %broadcast_in_dim3A_83 : vector<512x1xf32> to vector<512x1024xf32>
    %eq3A_84 = arith.cmpf oeq, %get3A_78, %eq3A : vector<512x1024xf32>
    %jit3A = arith.constant 4096 : i32
    %broadcast_in_dim3A_85 = vector.broadcast %jit3A : i32 to vector<512x1024xi32>
    %select_n3A_86 = arith.select %eq3A_84, %get3A_81, %broadcast_in_dim3A_85 : vector<512x1024xi1>, vector<512x1024xi32>
    %reduce_min3A_87 = arith.constant dense<2147483647> : vector<512xi32>
    %reduce_min3A_88 = vector.multi_reduction <minsi>, %select_n3A_86, %reduce_min3A_87 [1] : vector<512x1024xi32> to vector<512xi32>
    %broadcast_in_dim3A_89 = vector.shape_cast %reduce_min3A_88 : vector<512xi32> to vector<512x1xi32>
    %eq3A_90 = arith.constant 0 : i32
    %eq3A_91 = vector.broadcast %eq3A_90 : i32 to vector<512x16xi32>
    %eq3A_92 = arith.cmpi eq, %iota3A_72, %eq3A_91 : vector<512x16xi32>
    %add3A_93 = vector.broadcast %mul3A_74 : i32 to vector<512x1xi32>
    %add3A_94 = arith.addi %broadcast_in_dim3A_89, %add3A_93 : vector<512x1xi32>
    %broadcast_in_dim3A_95 = vector.shape_cast %add3A_94 : vector<512x1xi32> to vector<512x1xi32>
    %broadcast_in_dim3A_96 = vector.broadcast %broadcast_in_dim3A_95 : vector<512x1xi32> to vector<512x16xi32>
    %select_n3A_97 = arith.select %eq3A_92, %broadcast_in_dim3A_96, %broadcast_in_dim3A_75 : vector<512x16xi1>, vector<512x16xi32>
    %eq3A_98 = vector.broadcast %broadcast_in_dim3A_89 : vector<512x1xi32> to vector<512x1024xi32>
    %eq3A_99 = arith.cmpi eq, %get3A_81, %eq3A_98 : vector<512x1024xi32>
    %get3A_100 = arith.constant 0 : index
    %get3A_101 = arith.constant 0 : index
    %get3A_102 = vector.load %arg9[%get3A_100, %get3A_101] : memref<512x1024xf32, #tpu.memory_space<vmem>>, vector<512x1024xf32>
    %select_n3A_103 = arith.select %eq3A_99, %get3A_102, %get3A_78 : vector<512x1024xi1>, vector<512x1024xf32>
    %swap3A_104 = arith.constant 0 : index
    %swap3A_105 = arith.constant 0 : index
    %swap3A_106 = vector.load %arg8[%swap3A_104, %swap3A_105] : memref<512x1024xf32, #tpu.memory_space<vmem>>, vector<512x1024xf32>
    tpu.vector_store %arg8[%swap3A_104, %swap3A_105], %select_n3A_103 {strides = array<i32>} : memref<512x1024xf32, #tpu.memory_space<vmem>>, vector<512x1024xf32>,
    %xor3A = arith.constant 1024 : i32
    %xor3A_107 = vector.broadcast %xor3A : i32 to vector<512x1024xi32>
    %xor3A_108 = arith.xori %get3A_81, %xor3A_107 : vector<512x1024xi32>
    %select_n3A_109 = arith.select %eq3A_99, %xor3A_108, %get3A_81 : vector<512x1024xi1>, vector<512x1024xi32>
    %swap3A_110 = arith.constant 0 : index
    %swap3A_111 = arith.constant 0 : index
    %swap3A_112 = vector.load %arg10[%swap3A_110, %swap3A_111] : memref<512x1024xi32, #tpu.memory_space<vmem>>, vector<512x1024xi32>
    tpu.vector_store %arg10[%swap3A_110, %swap3A_111], %select_n3A_109 {strides = array<i32>} : memref<512x1024xi32, #tpu.memory_space<vmem>>, vector<512x1024xi32>,
    %jit3A_113 = arith.constant 0x7F800000 : f32
    %broadcast_in_dim3A_114 = vector.broadcast %jit3A_113 : f32 to vector<512x1024xf32>
    %select_n3A_115 = arith.select %eq3A_99, %broadcast_in_dim3A_114, %get3A_102 : vector<512x1024xi1>, vector<512x1024xf32>
    %swap3A_116 = arith.constant 0 : index
    %swap3A_117 = arith.constant 0 : index
    %swap3A_118 = vector.load %arg9[%swap3A_116, %swap3A_117] : memref<512x1024xf32, #tpu.memory_space<vmem>>, vector<512x1024xf32>
    tpu.vector_store %arg9[%swap3A_116, %swap3A_117], %select_n3A_115 {strides = array<i32>} : memref<512x1024xf32, #tpu.memory_space<vmem>>, vector<512x1024xf32>,
    %get3A_119 = arith.constant 0 : index
    %get3A_120 = arith.constant 0 : index
    %get3A_121 = vector.load %arg8[%get3A_119, %get3A_120] : memref<512x1024xf32, #tpu.memory_space<vmem>>, vector<512x1024xf32>
    %get3A_122 = arith.constant 0 : index
    %get3A_123 = arith.constant 0 : index
    %get3A_124 = vector.load %arg10[%get3A_122, %get3A_123] : memref<512x1024xi32, #tpu.memory_space<vmem>>, vector<512x1024xi32>
    %reduce_min3A_125 = arith.constant dense<0x7F800000> : vector<512xf32>
    %reduce_min3A_126 = vector.multi_reduction <minimumf>, %get3A_121, %reduce_min3A_125 [1] : vector<512x1024xf32> to vector<512xf32>
    %broadcast_in_dim3A_127 = vector.shape_cast %reduce_min3A_126 : vector<512xf32> to vector<512x1xf32>
    %eq3A_128 = vector.broadcast %broadcast_in_dim3A_127 : vector<512x1xf32> to vector<512x1024xf32>
    %eq3A_129 = arith.cmpf oeq, %get3A_121, %eq3A_128 : vector<512x1024xf32>
    %jit3A_130 = arith.constant 4096 : i32
    %broadcast_in_dim3A_131 = vector.broadcast %jit3A_130 : i32 to vector<512x1024xi32>
    %select_n3A_132 = arith.select %eq3A_129, %get3A_124, %broadcast_in_dim3A_131 : vector<512x1024xi1>, vector<512x1024xi32>
    %reduce_min3A_133 = arith.constant dense<2147483647> : vector<512xi32>
    %reduce_min3A_134 = vector.multi_reduction <minsi>, %select_n3A_132, %reduce_min3A_133 [1] : vector<512x1024xi32> to vector<512xi32>
    %broadcast_in_dim3A_135 = vector.shape_cast %reduce_min3A_134 : vector<512xi32> to vector<512x1xi32>
    %eq3A_136 = arith.constant 1 : i32
    %eq3A_137 = vector.broadcast %eq3A_136 : i32 to vector<512x16xi32>
    %eq3A_138 = arith.cmpi eq, %iota3A_72, %eq3A_137 : vector<512x16xi32>
    %add3A_139 = vector.broadcast %mul3A_74 : i32 to vector<512x1xi32>
    %add3A_140 = arith.addi %broadcast_in_dim3A_135, %add3A_139 : vector<512x1xi32>
    %broadcast_in_dim3A_141 = vector.shape_cast %add3A_140 : vector<512x1xi32> to vector<512x1xi32>
    %broadcast_in_dim3A_142 = vector.broadcast %broadcast_in_dim3A_141 : vector<512x1xi32> to vector<512x16xi32>
    %select_n3A_143 = arith.select %eq3A_138, %broadcast_in_dim3A_142, %select_n3A_97 : vector<512x16xi1>, vector<512x16xi32>
    %eq3A_144 = vector.broadcast %broadcast_in_dim3A_135 : vector<512x1xi32> to vector<512x1024xi32>
    %eq3A_145 = arith.cmpi eq, %get3A_124, %eq3A_144 : vector<512x1024xi32>
    %get3A_146 = arith.constant 0 : index
    %get3A_147 = arith.constant 0 : index
    %get3A_148 = vector.load %arg9[%get3A_146, %get3A_147] : memref<512x1024xf32, #tpu.memory_space<vmem>>, vector<512x1024xf32>
    %select_n3A_149 = arith.select %eq3A_145, %get3A_148, %get3A_121 : vector<512x1024xi1>, vector<512x1024xf32>
    %swap3A_150 = arith.constant 0 : index
    %swap3A_151 = arith.constant 0 : index
    %swap3A_152 = vector.load %arg8[%swap3A_150, %swap3A_151] : memref<512x1024xf32, #tpu.memory_space<vmem>>, vector<512x1024xf32>
    tpu.vector_store %arg8[%swap3A_150, %swap3A_151], %select_n3A_149 {strides = array<i32>} : memref<512x1024xf32, #tpu.memory_space<vmem>>, vector<512x1024xf32>,
    %xor3A_153 = arith.constant 1024 : i32
    %xor3A_154 = vector.broadcast %xor3A_153 : i32 to vector<512x1024xi32>
    %xor3A_155 = arith.xori %get3A_124, %xor3A_154 : vector<512x1024xi32>
    %select_n3A_156 = arith.select %eq3A_145, %xor3A_155, %get3A_124 : vector<512x1024xi1>, vector<512x1024xi32>
    %swap3A_157 = arith.constant 0 : index
    %swap3A_158 = arith.constant 0 : index
    %swap3A_159 = vector.load %arg10[%swap3A_157, %swap3A_158] : memref<512x1024xi32, #tpu.memory_space<vmem>>, vector<512x1024xi32>
    tpu.vector_store %arg10[%swap3A_157, %swap3A_158], %select_n3A_156 {strides = array<i32>} : memref<512x1024xi32, #tpu.memory_space<vmem>>, vector<512x1024xi32>,
    %jit3A_160 = arith.constant 0x7F800000 : f32
    %broadcast_in_dim3A_161 = vector.broadcast %jit3A_160 : f32 to vector<512x1024xf32>
    %select_n3A_162 = arith.select %eq3A_145, %broadcast_in_dim3A_161, %get3A_148 : vector<512x1024xi1>, vector<512x1024xf32>
    %swap3A_163 = arith.constant 0 : index
    %swap3A_164 = arith.constant 0 : index
    %swap3A_165 = vector.load %arg9[%swap3A_163, %swap3A_164] : memref<512x1024xf32, #tpu.memory_space<vmem>>, vector<512x1024xf32>
    tpu.vector_store %arg9[%swap3A_163, %swap3A_164], %select_n3A_162 {strides = array<i32>} : memref<512x1024xf32, #tpu.memory_space<vmem>>, vector<512x1024xf32>,
    %get3A_166 = arith.constant 0 : index
    %get3A_167 = arith.constant 0 : index
    %get3A_168 = vector.load %arg8[%get3A_166, %get3A_167] : memref<512x1024xf32, #tpu.memory_space<vmem>>, vector<512x1024xf32>
    %get3A_169 = arith.constant 0 : index
    %get3A_170 = arith.constant 0 : index
    %get3A_171 = vector.load %arg10[%get3A_169, %get3A_170] : memref<512x1024xi32, #tpu.memory_space<vmem>>, vector<512x1024xi32>
    %reduce_min3A_172 = arith.constant dense<0x7F800000> : vector<512xf32>
    %reduce_min3A_173 = vector.multi_reduction <minimumf>, %get3A_168, %reduce_min3A_172 [1] : vector<512x1024xf32> to vector<512xf32>
    %broadcast_in_dim3A_174 = vector.shape_cast %reduce_min3A_173 : vector<512xf32> to vector<512x1xf32>
    %eq3A_175 = vector.broadcast %broadcast_in_dim3A_174 : vector<512x1xf32> to vector<512x1024xf32>
    %eq3A_176 = arith.cmpf oeq, %get3A_168, %eq3A_175 : vector<512x1024xf32>
    %jit3A_177 = arith.constant 4096 : i32
    %broadcast_in_dim3A_178 = vector.broadcast %jit3A_177 : i32 to vector<512x1024xi32>
    %select_n3A_179 = arith.select %eq3A_176, %get3A_171, %broadcast_in_dim3A_178 : vector<512x1024xi1>, vector<512x1024xi32>
    %reduce_min3A_180 = arith.constant dense<2147483647> : vector<512xi32>
    %reduce_min3A_181 = vector.multi_reduction <minsi>, %select_n3A_179, %reduce_min3A_180 [1] : vector<512x1024xi32> to vector<512xi32>
    %broadcast_in_dim3A_182 = vector.shape_cast %reduce_min3A_181 : vector<512xi32> to vector<512x1xi32>
    %eq3A_183 = arith.constant 2 : i32
    %eq3A_184 = vector.broadcast %eq3A_183 : i32 to vector<512x16xi32>
    %eq3A_185 = arith.cmpi eq, %iota3A_72, %eq3A_184 : vector<512x16xi32>
    %add3A_186 = vector.broadcast %mul3A_74 : i32 to vector<512x1xi32>
    %add3A_187 = arith.addi %broadcast_in_dim3A_182, %add3A_186 : vector<512x1xi32>
    %broadcast_in_dim3A_188 = vector.shape_cast %add3A_187 : vector<512x1xi32> to vector<512x1xi32>
    %broadcast_in_dim3A_189 = vector.broadcast %broadcast_in_dim3A_188 : vector<512x1xi32> to vector<512x16xi32>
    %select_n3A_190 = arith.select %eq3A_185, %broadcast_in_dim3A_189, %select_n3A_143 : vector<512x16xi1>, vector<512x16xi32>
    %eq3A_191 = vector.broadcast %broadcast_in_dim3A_182 : vector<512x1xi32> to vector<512x1024xi32>
    %eq3A_192 = arith.cmpi eq, %get3A_171, %eq3A_191 : vector<512x1024xi32>
    %get3A_193 = arith.constant 0 : index
    %get3A_194 = arith.constant 0 : index
    %get3A_195 = vector.load %arg9[%get3A_193, %get3A_194] : memref<512x1024xf32, #tpu.memory_space<vmem>>, vector<512x1024xf32>
    %select_n3A_196 = arith.select %eq3A_192, %get3A_195, %get3A_168 : vector<512x1024xi1>, vector<512x1024xf32>
    %swap3A_197 = arith.constant 0 : index
    %swap3A_198 = arith.constant 0 : index
    %swap3A_199 = vector.load %arg8[%swap3A_197, %swap3A_198] : memref<512x1024xf32, #tpu.memory_space<vmem>>, vector<512x1024xf32>
    tpu.vector_store %arg8[%swap3A_197, %swap3A_198], %select_n3A_196 {strides = array<i32>} : memref<512x1024xf32, #tpu.memory_space<vmem>>, vector<512x1024xf32>,
    %xor3A_200 = arith.constant 1024 : i32
    %xor3A_201 = vector.broadcast %xor3A_200 : i32 to vector<512x1024xi32>
    %xor3A_202 = arith.xori %get3A_171, %xor3A_201 : vector<512x1024xi32>
    %select_n3A_203 = arith.select %eq3A_192, %xor3A_202, %get3A_171 : vector<512x1024xi1>, vector<512x1024xi32>
    %swap3A_204 = arith.constant 0 : index
    %swap3A_205 = arith.constant 0 : index
    %swap3A_206 = vector.load %arg10[%swap3A_204, %swap3A_205] : memref<512x1024xi32, #tpu.memory_space<vmem>>, vector<512x1024xi32>
    tpu.vector_store %arg10[%swap3A_204, %swap3A_205], %select_n3A_203 {strides = array<i32>} : memref<512x1024xi32, #tpu.memory_space<vmem>>, vector<512x1024xi32>,
    %jit3A_207 = arith.constant 0x7F800000 : f32
    %broadcast_in_dim3A_208 = vector.broadcast %jit3A_207 : f32 to vector<512x1024xf32>
    %select_n3A_209 = arith.select %eq3A_192, %broadcast_in_dim3A_208, %get3A_195 : vector<512x1024xi1>, vector<512x1024xf32>
    %swap3A_210 = arith.constant 0 : index
    %swap3A_211 = arith.constant 0 : index
    %swap3A_212 = vector.load %arg9[%swap3A_210, %swap3A_211] : memref<512x1024xf32, #tpu.memory_space<vmem>>, vector<512x1024xf32>
    tpu.vector_store %arg9[%swap3A_210, %swap3A_211], %select_n3A_209 {strides = array<i32>} : memref<512x1024xf32, #tpu.memory_space<vmem>>, vector<512x1024xf32>,
    %get3A_213 = arith.constant 0 : index
    %get3A_214 = arith.constant 0 : index
    %get3A_215 = vector.load %arg8[%get3A_213, %get3A_214] : memref<512x1024xf32, #tpu.memory_space<vmem>>, vector<512x1024xf32>
    %get3A_216 = arith.constant 0 : index
    %get3A_217 = arith.constant 0 : index
    %get3A_218 = vector.load %arg10[%get3A_216, %get3A_217] : memref<512x1024xi32, #tpu.memory_space<vmem>>, vector<512x1024xi32>
    %reduce_min3A_219 = arith.constant dense<0x7F800000> : vector<512xf32>
    %reduce_min3A_220 = vector.multi_reduction <minimumf>, %get3A_215, %reduce_min3A_219 [1] : vector<512x1024xf32> to vector<512xf32>
    %broadcast_in_dim3A_221 = vector.shape_cast %reduce_min3A_220 : vector<512xf32> to vector<512x1xf32>
    %eq3A_222 = vector.broadcast %broadcast_in_dim3A_221 : vector<512x1xf32> to vector<512x1024xf32>
    %eq3A_223 = arith.cmpf oeq, %get3A_215, %eq3A_222 : vector<512x1024xf32>
    %jit3A_224 = arith.constant 4096 : i32
    %broadcast_in_dim3A_225 = vector.broadcast %jit3A_224 : i32 to vector<512x1024xi32>
    %select_n3A_226 = arith.select %eq3A_223, %get3A_218, %broadcast_in_dim3A_225 : vector<512x1024xi1>, vector<512x1024xi32>
    %reduce_min3A_227 = arith.constant dense<2147483647> : vector<512xi32>
    %reduce_min3A_228 = vector.multi_reduction <minsi>, %select_n3A_226, %reduce_min3A_227 [1] : vector<512x1024xi32> to vector<512xi32>
    %broadcast_in_dim3A_229 = vector.shape_cast %reduce_min3A_228 : vector<512xi32> to vector<512x1xi32>
    %eq3A_230 = arith.constant 3 : i32
    %eq3A_231 = vector.broadcast %eq3A_230 : i32 to vector<512x16xi32>
    %eq3A_232 = arith.cmpi eq, %iota3A_72, %eq3A_231 : vector<512x16xi32>
    %add3A_233 = vector.broadcast %mul3A_74 : i32 to vector<512x1xi32>
    %add3A_234 = arith.addi %broadcast_in_dim3A_229, %add3A_233 : vector<512x1xi32>
    %broadcast_in_dim3A_235 = vector.shape_cast %add3A_234 : vector<512x1xi32> to vector<512x1xi32>
    %broadcast_in_dim3A_236 = vector.broadcast %broadcast_in_dim3A_235 : vector<512x1xi32> to vector<512x16xi32>
    %select_n3A_237 = arith.select %eq3A_232, %broadcast_in_dim3A_236, %select_n3A_190 : vector<512x16xi1>, vector<512x16xi32>
    %eq3A_238 = vector.broadcast %broadcast_in_dim3A_229 : vector<512x1xi32> to vector<512x1024xi32>
    %eq3A_239 = arith.cmpi eq, %get3A_218, %eq3A_238 : vector<512x1024xi32>
    %get3A_240 = arith.constant 0 : index
    %get3A_241 = arith.constant 0 : index
    %get3A_242 = vector.load %arg9[%get3A_240, %get3A_241] : memref<512x1024xf32, #tpu.memory_space<vmem>>, vector<512x1024xf32>
    %select_n3A_243 = arith.select %eq3A_239, %get3A_242, %get3A_215 : vector<512x1024xi1>, vector<512x1024xf32>
    %swap3A_244 = arith.constant 0 : index
    %swap3A_245 = arith.constant 0 : index
    %swap3A_246 = vector.load %arg8[%swap3A_244, %swap3A_245] : memref<512x1024xf32, #tpu.memory_space<vmem>>, vector<512x1024xf32>
    tpu.vector_store %arg8[%swap3A_244, %swap3A_245], %select_n3A_243 {strides = array<i32>} : memref<512x1024xf32, #tpu.memory_space<vmem>>, vector<512x1024xf32>,
    %xor3A_247 = arith.constant 1024 : i32
    %xor3A_248 = vector.broadcast %xor3A_247 : i32 to vector<512x1024xi32>
    %xor3A_249 = arith.xori %get3A_218, %xor3A_248 : vector<512x1024xi32>
    %select_n3A_250 = arith.select %eq3A_239, %xor3A_249, %get3A_218 : vector<512x1024xi1>, vector<512x1024xi32>
    %swap3A_251 = arith.constant 0 : index
    %swap3A_252 = arith.constant 0 : index
    %swap3A_253 = vector.load %arg10[%swap3A_251, %swap3A_252] : memref<512x1024xi32, #tpu.memory_space<vmem>>, vector<512x1024xi32>
    tpu.vector_store %arg10[%swap3A_251, %swap3A_252], %select_n3A_250 {strides = array<i32>} : memref<512x1024xi32, #tpu.memory_space<vmem>>, vector<512x1024xi32>,
    %jit3A_254 = arith.constant 0x7F800000 : f32
    %broadcast_in_dim3A_255 = vector.broadcast %jit3A_254 : f32 to vector<512x1024xf32>
    %select_n3A_256 = arith.select %eq3A_239, %broadcast_in_dim3A_255, %get3A_242 : vector<512x1024xi1>, vector<512x1024xf32>
    %swap3A_257 = arith.constant 0 : index
    %swap3A_258 = arith.constant 0 : index
    %swap3A_259 = vector.load %arg9[%swap3A_257, %swap3A_258] : memref<512x1024xf32, #tpu.memory_space<vmem>>, vector<512x1024xf32>
    tpu.vector_store %arg9[%swap3A_257, %swap3A_258], %select_n3A_256 {strides = array<i32>} : memref<512x1024xf32, #tpu.memory_space<vmem>>, vector<512x1024xf32>,
    %get3A_260 = arith.constant 0 : index
    %get3A_261 = arith.constant 0 : index
    %get3A_262 = vector.load %arg8[%get3A_260, %get3A_261] : memref<512x1024xf32, #tpu.memory_space<vmem>>, vector<512x1024xf32>
    %get3A_263 = arith.constant 0 : index
    %get3A_264 = arith.constant 0 : index
    %get3A_265 = vector.load %arg10[%get3A_263, %get3A_264] : memref<512x1024xi32, #tpu.memory_space<vmem>>, vector<512x1024xi32>
    %reduce_min3A_266 = arith.constant dense<0x7F800000> : vector<512xf32>
    %reduce_min3A_267 = vector.multi_reduction <minimumf>, %get3A_262, %reduce_min3A_266 [1] : vector<512x1024xf32> to vector<512xf32>
    %broadcast_in_dim3A_268 = vector.shape_cast %reduce_min3A_267 : vector<512xf32> to vector<512x1xf32>
    %eq3A_269 = vector.broadcast %broadcast_in_dim3A_268 : vector<512x1xf32> to vector<512x1024xf32>
    %eq3A_270 = arith.cmpf oeq, %get3A_262, %eq3A_269 : vector<512x1024xf32>
    %jit3A_271 = arith.constant 4096 : i32
    %broadcast_in_dim3A_272 = vector.broadcast %jit3A_271 : i32 to vector<512x1024xi32>
    %select_n3A_273 = arith.select %eq3A_270, %get3A_265, %broadcast_in_dim3A_272 : vector<512x1024xi1>, vector<512x1024xi32>
    %reduce_min3A_274 = arith.constant dense<2147483647> : vector<512xi32>
    %reduce_min3A_275 = vector.multi_reduction <minsi>, %select_n3A_273, %reduce_min3A_274 [1] : vector<512x1024xi32> to vector<512xi32>
    %broadcast_in_dim3A_276 = vector.shape_cast %reduce_min3A_275 : vector<512xi32> to vector<512x1xi32>
    %eq3A_277 = arith.constant 4 : i32
    %eq3A_278 = vector.broadcast %eq3A_277 : i32 to vector<512x16xi32>
    %eq3A_279 = arith.cmpi eq, %iota3A_72, %eq3A_278 : vector<512x16xi32>
    %add3A_280 = vector.broadcast %mul3A_74 : i32 to vector<512x1xi32>
    %add3A_281 = arith.addi %broadcast_in_dim3A_276, %add3A_280 : vector<512x1xi32>
    %broadcast_in_dim3A_282 = vector.shape_cast %add3A_281 : vector<512x1xi32> to vector<512x1xi32>
    %broadcast_in_dim3A_283 = vector.broadcast %broadcast_in_dim3A_282 : vector<512x1xi32> to vector<512x16xi32>
    %select_n3A_284 = arith.select %eq3A_279, %broadcast_in_dim3A_283, %select_n3A_237 : vector<512x16xi1>, vector<512x16xi32>
    %eq3A_285 = vector.broadcast %broadcast_in_dim3A_276 : vector<512x1xi32> to vector<512x1024xi32>
    %eq3A_286 = arith.cmpi eq, %get3A_265, %eq3A_285 : vector<512x1024xi32>
    %get3A_287 = arith.constant 0 : index
    %get3A_288 = arith.constant 0 : index
    %get3A_289 = vector.load %arg9[%get3A_287, %get3A_288] : memref<512x1024xf32, #tpu.memory_space<vmem>>, vector<512x1024xf32>
    %select_n3A_290 = arith.select %eq3A_286, %get3A_289, %get3A_262 : vector<512x1024xi1>, vector<512x1024xf32>
    %swap3A_291 = arith.constant 0 : index
    %swap3A_292 = arith.constant 0 : index
    %swap3A_293 = vector.load %arg8[%swap3A_291, %swap3A_292] : memref<512x1024xf32, #tpu.memory_space<vmem>>, vector<512x1024xf32>
    tpu.vector_store %arg8[%swap3A_291, %swap3A_292], %select_n3A_290 {strides = array<i32>} : memref<512x1024xf32, #tpu.memory_space<vmem>>, vector<512x1024xf32>,
    %xor3A_294 = arith.constant 1024 : i32
    %xor3A_295 = vector.broadcast %xor3A_294 : i32 to vector<512x1024xi32>
    %xor3A_296 = arith.xori %get3A_265, %xor3A_295 : vector<512x1024xi32>
    %select_n3A_297 = arith.select %eq3A_286, %xor3A_296, %get3A_265 : vector<512x1024xi1>, vector<512x1024xi32>
    %swap3A_298 = arith.constant 0 : index
    %swap3A_299 = arith.constant 0 : index
    %swap3A_300 = vector.load %arg10[%swap3A_298, %swap3A_299] : memref<512x1024xi32, #tpu.memory_space<vmem>>, vector<512x1024xi32>
    tpu.vector_store %arg10[%swap3A_298, %swap3A_299], %select_n3A_297 {strides = array<i32>} : memref<512x1024xi32, #tpu.memory_space<vmem>>, vector<512x1024xi32>,
    %jit3A_301 = arith.constant 0x7F800000 : f32
    %broadcast_in_dim3A_302 = vector.broadcast %jit3A_301 : f32 to vector<512x1024xf32>
    %select_n3A_303 = arith.select %eq3A_286, %broadcast_in_dim3A_302, %get3A_289 : vector<512x1024xi1>, vector<512x1024xf32>
    %swap3A_304 = arith.constant 0 : index
    %swap3A_305 = arith.constant 0 : index
    %swap3A_306 = vector.load %arg9[%swap3A_304, %swap3A_305] : memref<512x1024xf32, #tpu.memory_space<vmem>>, vector<512x1024xf32>
    tpu.vector_store %arg9[%swap3A_304, %swap3A_305], %select_n3A_303 {strides = array<i32>} : memref<512x1024xf32, #tpu.memory_space<vmem>>, vector<512x1024xf32>,
    %get3A_307 = arith.constant 0 : index
    %get3A_308 = arith.constant 0 : index
    %get3A_309 = vector.load %arg8[%get3A_307, %get3A_308] : memref<512x1024xf32, #tpu.memory_space<vmem>>, vector<512x1024xf32>
    %get3A_310 = arith.constant 0 : index
    %get3A_311 = arith.constant 0 : index
    %get3A_312 = vector.load %arg10[%get3A_310, %get3A_311] : memref<512x1024xi32, #tpu.memory_space<vmem>>, vector<512x1024xi32>
    %reduce_min3A_313 = arith.constant dense<0x7F800000> : vector<512xf32>
    %reduce_min3A_314 = vector.multi_reduction <minimumf>, %get3A_309, %reduce_min3A_313 [1] : vector<512x1024xf32> to vector<512xf32>
    %broadcast_in_dim3A_315 = vector.shape_cast %reduce_min3A_314 : vector<512xf32> to vector<512x1xf32>
    %eq3A_316 = vector.broadcast %broadcast_in_dim3A_315 : vector<512x1xf32> to vector<512x1024xf32>
    %eq3A_317 = arith.cmpf oeq, %get3A_309, %eq3A_316 : vector<512x1024xf32>
    %jit3A_318 = arith.constant 4096 : i32
    %broadcast_in_dim3A_319 = vector.broadcast %jit3A_318 : i32 to vector<512x1024xi32>
    %select_n3A_320 = arith.select %eq3A_317, %get3A_312, %broadcast_in_dim3A_319 : vector<512x1024xi1>, vector<512x1024xi32>
    %reduce_min3A_321 = arith.constant dense<2147483647> : vector<512xi32>
    %reduce_min3A_322 = vector.multi_reduction <minsi>, %select_n3A_320, %reduce_min3A_321 [1] : vector<512x1024xi32> to vector<512xi32>
    %broadcast_in_dim3A_323 = vector.shape_cast %reduce_min3A_322 : vector<512xi32> to vector<512x1xi32>
    %eq3A_324 = arith.constant 5 : i32
    %eq3A_325 = vector.broadcast %eq3A_324 : i32 to vector<512x16xi32>
    %eq3A_326 = arith.cmpi eq, %iota3A_72, %eq3A_325 : vector<512x16xi32>
    %add3A_327 = vector.broadcast %mul3A_74 : i32 to vector<512x1xi32>
    %add3A_328 = arith.addi %broadcast_in_dim3A_323, %add3A_327 : vector<512x1xi32>
    %broadcast_in_dim3A_329 = vector.shape_cast %add3A_328 : vector<512x1xi32> to vector<512x1xi32>
    %broadcast_in_dim3A_330 = vector.broadcast %broadcast_in_dim3A_329 : vector<512x1xi32> to vector<512x16xi32>
    %select_n3A_331 = arith.select %eq3A_326, %broadcast_in_dim3A_330, %select_n3A_284 : vector<512x16xi1>, vector<512x16xi32>
    %eq3A_332 = vector.broadcast %broadcast_in_dim3A_323 : vector<512x1xi32> to vector<512x1024xi32>
    %eq3A_333 = arith.cmpi eq, %get3A_312, %eq3A_332 : vector<512x1024xi32>
    %get3A_334 = arith.constant 0 : index
    %get3A_335 = arith.constant 0 : index
    %get3A_336 = vector.load %arg9[%get3A_334, %get3A_335] : memref<512x1024xf32, #tpu.memory_space<vmem>>, vector<512x1024xf32>
    %select_n3A_337 = arith.select %eq3A_333, %get3A_336, %get3A_309 : vector<512x1024xi1>, vector<512x1024xf32>
    %swap3A_338 = arith.constant 0 : index
    %swap3A_339 = arith.constant 0 : index
    %swap3A_340 = vector.load %arg8[%swap3A_338, %swap3A_339] : memref<512x1024xf32, #tpu.memory_space<vmem>>, vector<512x1024xf32>
    tpu.vector_store %arg8[%swap3A_338, %swap3A_339], %select_n3A_337 {strides = array<i32>} : memref<512x1024xf32, #tpu.memory_space<vmem>>, vector<512x1024xf32>,
    %xor3A_341 = arith.constant 1024 : i32
    %xor3A_342 = vector.broadcast %xor3A_341 : i32 to vector<512x1024xi32>
    %xor3A_343 = arith.xori %get3A_312, %xor3A_342 : vector<512x1024xi32>
    %select_n3A_344 = arith.select %eq3A_333, %xor3A_343, %get3A_312 : vector<512x1024xi1>, vector<512x1024xi32>
    %swap3A_345 = arith.constant 0 : index
    %swap3A_346 = arith.constant 0 : index
    %swap3A_347 = vector.load %arg10[%swap3A_345, %swap3A_346] : memref<512x1024xi32, #tpu.memory_space<vmem>>, vector<512x1024xi32>
    tpu.vector_store %arg10[%swap3A_345, %swap3A_346], %select_n3A_344 {strides = array<i32>} : memref<512x1024xi32, #tpu.memory_space<vmem>>, vector<512x1024xi32>,
    %jit3A_348 = arith.constant 0x7F800000 : f32
    %broadcast_in_dim3A_349 = vector.broadcast %jit3A_348 : f32 to vector<512x1024xf32>
    %select_n3A_350 = arith.select %eq3A_333, %broadcast_in_dim3A_349, %get3A_336 : vector<512x1024xi1>, vector<512x1024xf32>
    %swap3A_351 = arith.constant 0 : index
    %swap3A_352 = arith.constant 0 : index
    %swap3A_353 = vector.load %arg9[%swap3A_351, %swap3A_352] : memref<512x1024xf32, #tpu.memory_space<vmem>>, vector<512x1024xf32>
    tpu.vector_store %arg9[%swap3A_351, %swap3A_352], %select_n3A_350 {strides = array<i32>} : memref<512x1024xf32, #tpu.memory_space<vmem>>, vector<512x1024xf32>,
    %get3A_354 = arith.constant 0 : index
    %get3A_355 = arith.constant 0 : index
    %get3A_356 = vector.load %arg8[%get3A_354, %get3A_355] : memref<512x1024xf32, #tpu.memory_space<vmem>>, vector<512x1024xf32>
    %get3A_357 = arith.constant 0 : index
    %get3A_358 = arith.constant 0 : index
    %get3A_359 = vector.load %arg10[%get3A_357, %get3A_358] : memref<512x1024xi32, #tpu.memory_space<vmem>>, vector<512x1024xi32>
    %reduce_min3A_360 = arith.constant dense<0x7F800000> : vector<512xf32>
    %reduce_min3A_361 = vector.multi_reduction <minimumf>, %get3A_356, %reduce_min3A_360 [1] : vector<512x1024xf32> to vector<512xf32>
    %broadcast_in_dim3A_362 = vector.shape_cast %reduce_min3A_361 : vector<512xf32> to vector<512x1xf32>
    %eq3A_363 = vector.broadcast %broadcast_in_dim3A_362 : vector<512x1xf32> to vector<512x1024xf32>
    %eq3A_364 = arith.cmpf oeq, %get3A_356, %eq3A_363 : vector<512x1024xf32>
    %jit3A_365 = arith.constant 4096 : i32
    %broadcast_in_dim3A_366 = vector.broadcast %jit3A_365 : i32 to vector<512x1024xi32>
    %select_n3A_367 = arith.select %eq3A_364, %get3A_359, %broadcast_in_dim3A_366 : vector<512x1024xi1>, vector<512x1024xi32>
    %reduce_min3A_368 = arith.constant dense<2147483647> : vector<512xi32>
    %reduce_min3A_369 = vector.multi_reduction <minsi>, %select_n3A_367, %reduce_min3A_368 [1] : vector<512x1024xi32> to vector<512xi32>
    %broadcast_in_dim3A_370 = vector.shape_cast %reduce_min3A_369 : vector<512xi32> to vector<512x1xi32>
    %eq3A_371 = arith.constant 6 : i32
    %eq3A_372 = vector.broadcast %eq3A_371 : i32 to vector<512x16xi32>
    %eq3A_373 = arith.cmpi eq, %iota3A_72, %eq3A_372 : vector<512x16xi32>
    %add3A_374 = vector.broadcast %mul3A_74 : i32 to vector<512x1xi32>
    %add3A_375 = arith.addi %broadcast_in_dim3A_370, %add3A_374 : vector<512x1xi32>
    %broadcast_in_dim3A_376 = vector.shape_cast %add3A_375 : vector<512x1xi32> to vector<512x1xi32>
    %broadcast_in_dim3A_377 = vector.broadcast %broadcast_in_dim3A_376 : vector<512x1xi32> to vector<512x16xi32>
    %select_n3A_378 = arith.select %eq3A_373, %broadcast_in_dim3A_377, %select_n3A_331 : vector<512x16xi1>, vector<512x16xi32>
    %eq3A_379 = vector.broadcast %broadcast_in_dim3A_370 : vector<512x1xi32> to vector<512x1024xi32>
    %eq3A_380 = arith.cmpi eq, %get3A_359, %eq3A_379 : vector<512x1024xi32>
    %get3A_381 = arith.constant 0 : index
    %get3A_382 = arith.constant 0 : index
    %get3A_383 = vector.load %arg9[%get3A_381, %get3A_382] : memref<512x1024xf32, #tpu.memory_space<vmem>>, vector<512x1024xf32>
    %select_n3A_384 = arith.select %eq3A_380, %get3A_383, %get3A_356 : vector<512x1024xi1>, vector<512x1024xf32>
    %swap3A_385 = arith.constant 0 : index
    %swap3A_386 = arith.constant 0 : index
    %swap3A_387 = vector.load %arg8[%swap3A_385, %swap3A_386] : memref<512x1024xf32, #tpu.memory_space<vmem>>, vector<512x1024xf32>
    tpu.vector_store %arg8[%swap3A_385, %swap3A_386], %select_n3A_384 {strides = array<i32>} : memref<512x1024xf32, #tpu.memory_space<vmem>>, vector<512x1024xf32>,
    %xor3A_388 = arith.constant 1024 : i32
    %xor3A_389 = vector.broadcast %xor3A_388 : i32 to vector<512x1024xi32>
    %xor3A_390 = arith.xori %get3A_359, %xor3A_389 : vector<512x1024xi32>
    %select_n3A_391 = arith.select %eq3A_380, %xor3A_390, %get3A_359 : vector<512x1024xi1>, vector<512x1024xi32>
    %swap3A_392 = arith.constant 0 : index
    %swap3A_393 = arith.constant 0 : index
    %swap3A_394 = vector.load %arg10[%swap3A_392, %swap3A_393] : memref<512x1024xi32, #tpu.memory_space<vmem>>, vector<512x1024xi32>
    tpu.vector_store %arg10[%swap3A_392, %swap3A_393], %select_n3A_391 {strides = array<i32>} : memref<512x1024xi32, #tpu.memory_space<vmem>>, vector<512x1024xi32>,
    %jit3A_395 = arith.constant 0x7F800000 : f32
    %broadcast_in_dim3A_396 = vector.broadcast %jit3A_395 : f32 to vector<512x1024xf32>
    %select_n3A_397 = arith.select %eq3A_380, %broadcast_in_dim3A_396, %get3A_383 : vector<512x1024xi1>, vector<512x1024xf32>
    %swap3A_398 = arith.constant 0 : index
    %swap3A_399 = arith.constant 0 : index
    %swap3A_400 = vector.load %arg9[%swap3A_398, %swap3A_399] : memref<512x1024xf32, #tpu.memory_space<vmem>>, vector<512x1024xf32>
    tpu.vector_store %arg9[%swap3A_398, %swap3A_399], %select_n3A_397 {strides = array<i32>} : memref<512x1024xf32, #tpu.memory_space<vmem>>, vector<512x1024xf32>,
    %get3A_401 = arith.constant 0 : index
    %get3A_402 = arith.constant 0 : index
    %get3A_403 = vector.load %arg8[%get3A_401, %get3A_402] : memref<512x1024xf32, #tpu.memory_space<vmem>>, vector<512x1024xf32>
    %get3A_404 = arith.constant 0 : index
    %get3A_405 = arith.constant 0 : index
    %get3A_406 = vector.load %arg10[%get3A_404, %get3A_405] : memref<512x1024xi32, #tpu.memory_space<vmem>>, vector<512x1024xi32>
    %reduce_min3A_407 = arith.constant dense<0x7F800000> : vector<512xf32>
    %reduce_min3A_408 = vector.multi_reduction <minimumf>, %get3A_403, %reduce_min3A_407 [1] : vector<512x1024xf32> to vector<512xf32>
    %broadcast_in_dim3A_409 = vector.shape_cast %reduce_min3A_408 : vector<512xf32> to vector<512x1xf32>
    %eq3A_410 = vector.broadcast %broadcast_in_dim3A_409 : vector<512x1xf32> to vector<512x1024xf32>
    %eq3A_411 = arith.cmpf oeq, %get3A_403, %eq3A_410 : vector<512x1024xf32>
    %jit3A_412 = arith.constant 4096 : i32
    %broadcast_in_dim3A_413 = vector.broadcast %jit3A_412 : i32 to vector<512x1024xi32>
    %select_n3A_414 = arith.select %eq3A_411, %get3A_406, %broadcast_in_dim3A_413 : vector<512x1024xi1>, vector<512x1024xi32>
    %reduce_min3A_415 = arith.constant dense<2147483647> : vector<512xi32>
    %reduce_min3A_416 = vector.multi_reduction <minsi>, %select_n3A_414, %reduce_min3A_415 [1] : vector<512x1024xi32> to vector<512xi32>
    %broadcast_in_dim3A_417 = vector.shape_cast %reduce_min3A_416 : vector<512xi32> to vector<512x1xi32>
    %eq3A_418 = arith.constant 7 : i32
    %eq3A_419 = vector.broadcast %eq3A_418 : i32 to vector<512x16xi32>
    %eq3A_420 = arith.cmpi eq, %iota3A_72, %eq3A_419 : vector<512x16xi32>
    %add3A_421 = vector.broadcast %mul3A_74 : i32 to vector<512x1xi32>
    %add3A_422 = arith.addi %broadcast_in_dim3A_417, %add3A_421 : vector<512x1xi32>
    %broadcast_in_dim3A_423 = vector.shape_cast %add3A_422 : vector<512x1xi32> to vector<512x1xi32>
    %broadcast_in_dim3A_424 = vector.broadcast %broadcast_in_dim3A_423 : vector<512x1xi32> to vector<512x16xi32>
    %select_n3A_425 = arith.select %eq3A_420, %broadcast_in_dim3A_424, %select_n3A_378 : vector<512x16xi1>, vector<512x16xi32>
    %eq3A_426 = vector.broadcast %broadcast_in_dim3A_417 : vector<512x1xi32> to vector<512x1024xi32>
    %eq3A_427 = arith.cmpi eq, %get3A_406, %eq3A_426 : vector<512x1024xi32>
    %get3A_428 = arith.constant 0 : index
    %get3A_429 = arith.constant 0 : index
    %get3A_430 = vector.load %arg9[%get3A_428, %get3A_429] : memref<512x1024xf32, #tpu.memory_space<vmem>>, vector<512x1024xf32>
    %select_n3A_431 = arith.select %eq3A_427, %get3A_430, %get3A_403 : vector<512x1024xi1>, vector<512x1024xf32>
    %swap3A_432 = arith.constant 0 : index
    %swap3A_433 = arith.constant 0 : index
    %swap3A_434 = vector.load %arg8[%swap3A_432, %swap3A_433] : memref<512x1024xf32, #tpu.memory_space<vmem>>, vector<512x1024xf32>
    tpu.vector_store %arg8[%swap3A_432, %swap3A_433], %select_n3A_431 {strides = array<i32>} : memref<512x1024xf32, #tpu.memory_space<vmem>>, vector<512x1024xf32>,
    %xor3A_435 = arith.constant 1024 : i32
    %xor3A_436 = vector.broadcast %xor3A_435 : i32 to vector<512x1024xi32>
    %xor3A_437 = arith.xori %get3A_406, %xor3A_436 : vector<512x1024xi32>
    %select_n3A_438 = arith.select %eq3A_427, %xor3A_437, %get3A_406 : vector<512x1024xi1>, vector<512x1024xi32>
    %swap3A_439 = arith.constant 0 : index
    %swap3A_440 = arith.constant 0 : index
    %swap3A_441 = vector.load %arg10[%swap3A_439, %swap3A_440] : memref<512x1024xi32, #tpu.memory_space<vmem>>, vector<512x1024xi32>
    tpu.vector_store %arg10[%swap3A_439, %swap3A_440], %select_n3A_438 {strides = array<i32>} : memref<512x1024xi32, #tpu.memory_space<vmem>>, vector<512x1024xi32>,
    %jit3A_442 = arith.constant 0x7F800000 : f32
    %broadcast_in_dim3A_443 = vector.broadcast %jit3A_442 : f32 to vector<512x1024xf32>
    %select_n3A_444 = arith.select %eq3A_427, %broadcast_in_dim3A_443, %get3A_430 : vector<512x1024xi1>, vector<512x1024xf32>
    %swap3A_445 = arith.constant 0 : index
    %swap3A_446 = arith.constant 0 : index
    %swap3A_447 = vector.load %arg9[%swap3A_445, %swap3A_446] : memref<512x1024xf32, #tpu.memory_space<vmem>>, vector<512x1024xf32>
    tpu.vector_store %arg9[%swap3A_445, %swap3A_446], %select_n3A_444 {strides = array<i32>} : memref<512x1024xf32, #tpu.memory_space<vmem>>, vector<512x1024xf32>,
    %get3A_448 = arith.constant 0 : index
    %get3A_449 = arith.constant 0 : index
    %get3A_450 = vector.load %arg8[%get3A_448, %get3A_449] : memref<512x1024xf32, #tpu.memory_space<vmem>>, vector<512x1024xf32>
    %get3A_451 = arith.constant 0 : index
    %get3A_452 = arith.constant 0 : index
    %get3A_453 = vector.load %arg10[%get3A_451, %get3A_452] : memref<512x1024xi32, #tpu.memory_space<vmem>>, vector<512x1024xi32>
    %reduce_min3A_454 = arith.constant dense<0x7F800000> : vector<512xf32>
    %reduce_min3A_455 = vector.multi_reduction <minimumf>, %get3A_450, %reduce_min3A_454 [1] : vector<512x1024xf32> to vector<512xf32>
    %broadcast_in_dim3A_456 = vector.shape_cast %reduce_min3A_455 : vector<512xf32> to vector<512x1xf32>
    %eq3A_457 = vector.broadcast %broadcast_in_dim3A_456 : vector<512x1xf32> to vector<512x1024xf32>
    %eq3A_458 = arith.cmpf oeq, %get3A_450, %eq3A_457 : vector<512x1024xf32>
    %jit3A_459 = arith.constant 4096 : i32
    %broadcast_in_dim3A_460 = vector.broadcast %jit3A_459 : i32 to vector<512x1024xi32>
    %select_n3A_461 = arith.select %eq3A_458, %get3A_453, %broadcast_in_dim3A_460 : vector<512x1024xi1>, vector<512x1024xi32>
    %reduce_min3A_462 = arith.constant dense<2147483647> : vector<512xi32>
    %reduce_min3A_463 = vector.multi_reduction <minsi>, %select_n3A_461, %reduce_min3A_462 [1] : vector<512x1024xi32> to vector<512xi32>
    %broadcast_in_dim3A_464 = vector.shape_cast %reduce_min3A_463 : vector<512xi32> to vector<512x1xi32>
    %eq3A_465 = arith.constant 8 : i32
    %eq3A_466 = vector.broadcast %eq3A_465 : i32 to vector<512x16xi32>
    %eq3A_467 = arith.cmpi eq, %iota3A_72, %eq3A_466 : vector<512x16xi32>
    %add3A_468 = vector.broadcast %mul3A_74 : i32 to vector<512x1xi32>
    %add3A_469 = arith.addi %broadcast_in_dim3A_464, %add3A_468 : vector<512x1xi32>
    %broadcast_in_dim3A_470 = vector.shape_cast %add3A_469 : vector<512x1xi32> to vector<512x1xi32>
    %broadcast_in_dim3A_471 = vector.broadcast %broadcast_in_dim3A_470 : vector<512x1xi32> to vector<512x16xi32>
    %select_n3A_472 = arith.select %eq3A_467, %broadcast_in_dim3A_471, %select_n3A_425 : vector<512x16xi1>, vector<512x16xi32>
    %eq3A_473 = vector.broadcast %broadcast_in_dim3A_464 : vector<512x1xi32> to vector<512x1024xi32>
    %eq3A_474 = arith.cmpi eq, %get3A_453, %eq3A_473 : vector<512x1024xi32>
    %get3A_475 = arith.constant 0 : index
    %get3A_476 = arith.constant 0 : index
    %get3A_477 = vector.load %arg9[%get3A_475, %get3A_476] : memref<512x1024xf32, #tpu.memory_space<vmem>>, vector<512x1024xf32>
    %select_n3A_478 = arith.select %eq3A_474, %get3A_477, %get3A_450 : vector<512x1024xi1>, vector<512x1024xf32>
    %swap3A_479 = arith.constant 0 : index
    %swap3A_480 = arith.constant 0 : index
    %swap3A_481 = vector.load %arg8[%swap3A_479, %swap3A_480] : memref<512x1024xf32, #tpu.memory_space<vmem>>, vector<512x1024xf32>
    tpu.vector_store %arg8[%swap3A_479, %swap3A_480], %select_n3A_478 {strides = array<i32>} : memref<512x1024xf32, #tpu.memory_space<vmem>>, vector<512x1024xf32>,
    %xor3A_482 = arith.constant 1024 : i32
    %xor3A_483 = vector.broadcast %xor3A_482 : i32 to vector<512x1024xi32>
    %xor3A_484 = arith.xori %get3A_453, %xor3A_483 : vector<512x1024xi32>
    %select_n3A_485 = arith.select %eq3A_474, %xor3A_484, %get3A_453 : vector<512x1024xi1>, vector<512x1024xi32>
    %swap3A_486 = arith.constant 0 : index
    %swap3A_487 = arith.constant 0 : index
    %swap3A_488 = vector.load %arg10[%swap3A_486, %swap3A_487] : memref<512x1024xi32, #tpu.memory_space<vmem>>, vector<512x1024xi32>
    tpu.vector_store %arg10[%swap3A_486, %swap3A_487], %select_n3A_485 {strides = array<i32>} : memref<512x1024xi32, #tpu.memory_space<vmem>>, vector<512x1024xi32>,
    %jit3A_489 = arith.constant 0x7F800000 : f32
    %broadcast_in_dim3A_490 = vector.broadcast %jit3A_489 : f32 to vector<512x1024xf32>
    %select_n3A_491 = arith.select %eq3A_474, %broadcast_in_dim3A_490, %get3A_477 : vector<512x1024xi1>, vector<512x1024xf32>
    %swap3A_492 = arith.constant 0 : index
    %swap3A_493 = arith.constant 0 : index
    %swap3A_494 = vector.load %arg9[%swap3A_492, %swap3A_493] : memref<512x1024xf32, #tpu.memory_space<vmem>>, vector<512x1024xf32>
    tpu.vector_store %arg9[%swap3A_492, %swap3A_493], %select_n3A_491 {strides = array<i32>} : memref<512x1024xf32, #tpu.memory_space<vmem>>, vector<512x1024xf32>,
    %get3A_495 = arith.constant 0 : index
    %get3A_496 = arith.constant 0 : index
    %get3A_497 = vector.load %arg8[%get3A_495, %get3A_496] : memref<512x1024xf32, #tpu.memory_space<vmem>>, vector<512x1024xf32>
    %get3A_498 = arith.constant 0 : index
    %get3A_499 = arith.constant 0 : index
    %get3A_500 = vector.load %arg10[%get3A_498, %get3A_499] : memref<512x1024xi32, #tpu.memory_space<vmem>>, vector<512x1024xi32>
    %reduce_min3A_501 = arith.constant dense<0x7F800000> : vector<512xf32>
    %reduce_min3A_502 = vector.multi_reduction <minimumf>, %get3A_497, %reduce_min3A_501 [1] : vector<512x1024xf32> to vector<512xf32>
    %broadcast_in_dim3A_503 = vector.shape_cast %reduce_min3A_502 : vector<512xf32> to vector<512x1xf32>
    %eq3A_504 = vector.broadcast %broadcast_in_dim3A_503 : vector<512x1xf32> to vector<512x1024xf32>
    %eq3A_505 = arith.cmpf oeq, %get3A_497, %eq3A_504 : vector<512x1024xf32>
    %jit3A_506 = arith.constant 4096 : i32
    %broadcast_in_dim3A_507 = vector.broadcast %jit3A_506 : i32 to vector<512x1024xi32>
    %select_n3A_508 = arith.select %eq3A_505, %get3A_500, %broadcast_in_dim3A_507 : vector<512x1024xi1>, vector<512x1024xi32>
    %reduce_min3A_509 = arith.constant dense<2147483647> : vector<512xi32>
    %reduce_min3A_510 = vector.multi_reduction <minsi>, %select_n3A_508, %reduce_min3A_509 [1] : vector<512x1024xi32> to vector<512xi32>
    %broadcast_in_dim3A_511 = vector.shape_cast %reduce_min3A_510 : vector<512xi32> to vector<512x1xi32>
    %eq3A_512 = arith.constant 9 : i32
    %eq3A_513 = vector.broadcast %eq3A_512 : i32 to vector<512x16xi32>
    %eq3A_514 = arith.cmpi eq, %iota3A_72, %eq3A_513 : vector<512x16xi32>
    %add3A_515 = vector.broadcast %mul3A_74 : i32 to vector<512x1xi32>
    %add3A_516 = arith.addi %broadcast_in_dim3A_511, %add3A_515 : vector<512x1xi32>
    %broadcast_in_dim3A_517 = vector.shape_cast %add3A_516 : vector<512x1xi32> to vector<512x1xi32>
    %broadcast_in_dim3A_518 = vector.broadcast %broadcast_in_dim3A_517 : vector<512x1xi32> to vector<512x16xi32>
    %select_n3A_519 = arith.select %eq3A_514, %broadcast_in_dim3A_518, %select_n3A_472 : vector<512x16xi1>, vector<512x16xi32>
    %eq3A_520 = vector.broadcast %broadcast_in_dim3A_511 : vector<512x1xi32> to vector<512x1024xi32>
    %eq3A_521 = arith.cmpi eq, %get3A_500, %eq3A_520 : vector<512x1024xi32>
    %get3A_522 = arith.constant 0 : index
    %get3A_523 = arith.constant 0 : index
    %get3A_524 = vector.load %arg9[%get3A_522, %get3A_523] : memref<512x1024xf32, #tpu.memory_space<vmem>>, vector<512x1024xf32>
    %select_n3A_525 = arith.select %eq3A_521, %get3A_524, %get3A_497 : vector<512x1024xi1>, vector<512x1024xf32>
    %swap3A_526 = arith.constant 0 : index
    %swap3A_527 = arith.constant 0 : index
    %swap3A_528 = vector.load %arg8[%swap3A_526, %swap3A_527] : memref<512x1024xf32, #tpu.memory_space<vmem>>, vector<512x1024xf32>
    tpu.vector_store %arg8[%swap3A_526, %swap3A_527], %select_n3A_525 {strides = array<i32>} : memref<512x1024xf32, #tpu.memory_space<vmem>>, vector<512x1024xf32>,
    %xor3A_529 = arith.constant 1024 : i32
    %xor3A_530 = vector.broadcast %xor3A_529 : i32 to vector<512x1024xi32>
    %xor3A_531 = arith.xori %get3A_500, %xor3A_530 : vector<512x1024xi32>
    %select_n3A_532 = arith.select %eq3A_521, %xor3A_531, %get3A_500 : vector<512x1024xi1>, vector<512x1024xi32>
    %swap3A_533 = arith.constant 0 : index
    %swap3A_534 = arith.constant 0 : index
    %swap3A_535 = vector.load %arg10[%swap3A_533, %swap3A_534] : memref<512x1024xi32, #tpu.memory_space<vmem>>, vector<512x1024xi32>
    tpu.vector_store %arg10[%swap3A_533, %swap3A_534], %select_n3A_532 {strides = array<i32>} : memref<512x1024xi32, #tpu.memory_space<vmem>>, vector<512x1024xi32>,
    %jit3A_536 = arith.constant 0x7F800000 : f32
    %broadcast_in_dim3A_537 = vector.broadcast %jit3A_536 : f32 to vector<512x1024xf32>
    %select_n3A_538 = arith.select %eq3A_521, %broadcast_in_dim3A_537, %get3A_524 : vector<512x1024xi1>, vector<512x1024xf32>
    %swap3A_539 = arith.constant 0 : index
    %swap3A_540 = arith.constant 0 : index
    %swap3A_541 = vector.load %arg9[%swap3A_539, %swap3A_540] : memref<512x1024xf32, #tpu.memory_space<vmem>>, vector<512x1024xf32>
    tpu.vector_store %arg9[%swap3A_539, %swap3A_540], %select_n3A_538 {strides = array<i32>} : memref<512x1024xf32, #tpu.memory_space<vmem>>, vector<512x1024xf32>,
    %get3A_542 = arith.constant 0 : index
    %get3A_543 = arith.constant 0 : index
    %get3A_544 = vector.load %arg8[%get3A_542, %get3A_543] : memref<512x1024xf32, #tpu.memory_space<vmem>>, vector<512x1024xf32>
    %get3A_545 = arith.constant 0 : index
    %get3A_546 = arith.constant 0 : index
    %get3A_547 = vector.load %arg10[%get3A_545, %get3A_546] : memref<512x1024xi32, #tpu.memory_space<vmem>>, vector<512x1024xi32>
    %reduce_min3A_548 = arith.constant dense<0x7F800000> : vector<512xf32>
    %reduce_min3A_549 = vector.multi_reduction <minimumf>, %get3A_544, %reduce_min3A_548 [1] : vector<512x1024xf32> to vector<512xf32>
    %broadcast_in_dim3A_550 = vector.shape_cast %reduce_min3A_549 : vector<512xf32> to vector<512x1xf32>
    %eq3A_551 = vector.broadcast %broadcast_in_dim3A_550 : vector<512x1xf32> to vector<512x1024xf32>
    %eq3A_552 = arith.cmpf oeq, %get3A_544, %eq3A_551 : vector<512x1024xf32>
    %jit3A_553 = arith.constant 4096 : i32
    %broadcast_in_dim3A_554 = vector.broadcast %jit3A_553 : i32 to vector<512x1024xi32>
    %select_n3A_555 = arith.select %eq3A_552, %get3A_547, %broadcast_in_dim3A_554 : vector<512x1024xi1>, vector<512x1024xi32>
    %reduce_min3A_556 = arith.constant dense<2147483647> : vector<512xi32>
    %reduce_min3A_557 = vector.multi_reduction <minsi>, %select_n3A_555, %reduce_min3A_556 [1] : vector<512x1024xi32> to vector<512xi32>
    %broadcast_in_dim3A_558 = vector.shape_cast %reduce_min3A_557 : vector<512xi32> to vector<512x1xi32>
    %eq3A_559 = arith.constant 10 : i32
    %eq3A_560 = vector.broadcast %eq3A_559 : i32 to vector<512x16xi32>
    %eq3A_561 = arith.cmpi eq, %iota3A_72, %eq3A_560 : vector<512x16xi32>
    %add3A_562 = vector.broadcast %mul3A_74 : i32 to vector<512x1xi32>
    %add3A_563 = arith.addi %broadcast_in_dim3A_558, %add3A_562 : vector<512x1xi32>
    %broadcast_in_dim3A_564 = vector.shape_cast %add3A_563 : vector<512x1xi32> to vector<512x1xi32>
    %broadcast_in_dim3A_565 = vector.broadcast %broadcast_in_dim3A_564 : vector<512x1xi32> to vector<512x16xi32>
    %select_n3A_566 = arith.select %eq3A_561, %broadcast_in_dim3A_565, %select_n3A_519 : vector<512x16xi1>, vector<512x16xi32>
    %eq3A_567 = vector.broadcast %broadcast_in_dim3A_558 : vector<512x1xi32> to vector<512x1024xi32>
    %eq3A_568 = arith.cmpi eq, %get3A_547, %eq3A_567 : vector<512x1024xi32>
    %get3A_569 = arith.constant 0 : index
    %get3A_570 = arith.constant 0 : index
    %get3A_571 = vector.load %arg9[%get3A_569, %get3A_570] : memref<512x1024xf32, #tpu.memory_space<vmem>>, vector<512x1024xf32>
    %select_n3A_572 = arith.select %eq3A_568, %get3A_571, %get3A_544 : vector<512x1024xi1>, vector<512x1024xf32>
    %swap3A_573 = arith.constant 0 : index
    %swap3A_574 = arith.constant 0 : index
    %swap3A_575 = vector.load %arg8[%swap3A_573, %swap3A_574] : memref<512x1024xf32, #tpu.memory_space<vmem>>, vector<512x1024xf32>
    tpu.vector_store %arg8[%swap3A_573, %swap3A_574], %select_n3A_572 {strides = array<i32>} : memref<512x1024xf32, #tpu.memory_space<vmem>>, vector<512x1024xf32>,
    %xor3A_576 = arith.constant 1024 : i32
    %xor3A_577 = vector.broadcast %xor3A_576 : i32 to vector<512x1024xi32>
    %xor3A_578 = arith.xori %get3A_547, %xor3A_577 : vector<512x1024xi32>
    %select_n3A_579 = arith.select %eq3A_568, %xor3A_578, %get3A_547 : vector<512x1024xi1>, vector<512x1024xi32>
    %swap3A_580 = arith.constant 0 : index
    %swap3A_581 = arith.constant 0 : index
    %swap3A_582 = vector.load %arg10[%swap3A_580, %swap3A_581] : memref<512x1024xi32, #tpu.memory_space<vmem>>, vector<512x1024xi32>
    tpu.vector_store %arg10[%swap3A_580, %swap3A_581], %select_n3A_579 {strides = array<i32>} : memref<512x1024xi32, #tpu.memory_space<vmem>>, vector<512x1024xi32>,
    %jit3A_583 = arith.constant 0x7F800000 : f32
    %broadcast_in_dim3A_584 = vector.broadcast %jit3A_583 : f32 to vector<512x1024xf32>
    %select_n3A_585 = arith.select %eq3A_568, %broadcast_in_dim3A_584, %get3A_571 : vector<512x1024xi1>, vector<512x1024xf32>
    %swap3A_586 = arith.constant 0 : index
    %swap3A_587 = arith.constant 0 : index
    %swap3A_588 = vector.load %arg9[%swap3A_586, %swap3A_587] : memref<512x1024xf32, #tpu.memory_space<vmem>>, vector<512x1024xf32>
    tpu.vector_store %arg9[%swap3A_586, %swap3A_587], %select_n3A_585 {strides = array<i32>} : memref<512x1024xf32, #tpu.memory_space<vmem>>, vector<512x1024xf32>,
    %get3A_589 = arith.constant 0 : index
    %get3A_590 = arith.constant 0 : index
    %get3A_591 = vector.load %arg8[%get3A_589, %get3A_590] : memref<512x1024xf32, #tpu.memory_space<vmem>>, vector<512x1024xf32>
    %get3A_592 = arith.constant 0 : index
    %get3A_593 = arith.constant 0 : index
    %get3A_594 = vector.load %arg10[%get3A_592, %get3A_593] : memref<512x1024xi32, #tpu.memory_space<vmem>>, vector<512x1024xi32>
    %reduce_min3A_595 = arith.constant dense<0x7F800000> : vector<512xf32>
    %reduce_min3A_596 = vector.multi_reduction <minimumf>, %get3A_591, %reduce_min3A_595 [1] : vector<512x1024xf32> to vector<512xf32>
    %broadcast_in_dim3A_597 = vector.shape_cast %reduce_min3A_596 : vector<512xf32> to vector<512x1xf32>
    %eq3A_598 = vector.broadcast %broadcast_in_dim3A_597 : vector<512x1xf32> to vector<512x1024xf32>
    %eq3A_599 = arith.cmpf oeq, %get3A_591, %eq3A_598 : vector<512x1024xf32>
    %jit3A_600 = arith.constant 4096 : i32
    %broadcast_in_dim3A_601 = vector.broadcast %jit3A_600 : i32 to vector<512x1024xi32>
    %select_n3A_602 = arith.select %eq3A_599, %get3A_594, %broadcast_in_dim3A_601 : vector<512x1024xi1>, vector<512x1024xi32>
    %reduce_min3A_603 = arith.constant dense<2147483647> : vector<512xi32>
    %reduce_min3A_604 = vector.multi_reduction <minsi>, %select_n3A_602, %reduce_min3A_603 [1] : vector<512x1024xi32> to vector<512xi32>
    %broadcast_in_dim3A_605 = vector.shape_cast %reduce_min3A_604 : vector<512xi32> to vector<512x1xi32>
    %eq3A_606 = arith.constant 11 : i32
    %eq3A_607 = vector.broadcast %eq3A_606 : i32 to vector<512x16xi32>
    %eq3A_608 = arith.cmpi eq, %iota3A_72, %eq3A_607 : vector<512x16xi32>
    %add3A_609 = vector.broadcast %mul3A_74 : i32 to vector<512x1xi32>
    %add3A_610 = arith.addi %broadcast_in_dim3A_605, %add3A_609 : vector<512x1xi32>
    %broadcast_in_dim3A_611 = vector.shape_cast %add3A_610 : vector<512x1xi32> to vector<512x1xi32>
    %broadcast_in_dim3A_612 = vector.broadcast %broadcast_in_dim3A_611 : vector<512x1xi32> to vector<512x16xi32>
    %select_n3A_613 = arith.select %eq3A_608, %broadcast_in_dim3A_612, %select_n3A_566 : vector<512x16xi1>, vector<512x16xi32>
    %eq3A_614 = vector.broadcast %broadcast_in_dim3A_605 : vector<512x1xi32> to vector<512x1024xi32>
    %eq3A_615 = arith.cmpi eq, %get3A_594, %eq3A_614 : vector<512x1024xi32>
    %get3A_616 = arith.constant 0 : index
    %get3A_617 = arith.constant 0 : index
    %get3A_618 = vector.load %arg9[%get3A_616, %get3A_617] : memref<512x1024xf32, #tpu.memory_space<vmem>>, vector<512x1024xf32>
    %select_n3A_619 = arith.select %eq3A_615, %get3A_618, %get3A_591 : vector<512x1024xi1>, vector<512x1024xf32>
    %swap3A_620 = arith.constant 0 : index
    %swap3A_621 = arith.constant 0 : index
    %swap3A_622 = vector.load %arg8[%swap3A_620, %swap3A_621] : memref<512x1024xf32, #tpu.memory_space<vmem>>, vector<512x1024xf32>
    tpu.vector_store %arg8[%swap3A_620, %swap3A_621], %select_n3A_619 {strides = array<i32>} : memref<512x1024xf32, #tpu.memory_space<vmem>>, vector<512x1024xf32>,
    %xor3A_623 = arith.constant 1024 : i32
    %xor3A_624 = vector.broadcast %xor3A_623 : i32 to vector<512x1024xi32>
    %xor3A_625 = arith.xori %get3A_594, %xor3A_624 : vector<512x1024xi32>
    %select_n3A_626 = arith.select %eq3A_615, %xor3A_625, %get3A_594 : vector<512x1024xi1>, vector<512x1024xi32>
    %swap3A_627 = arith.constant 0 : index
    %swap3A_628 = arith.constant 0 : index
    %swap3A_629 = vector.load %arg10[%swap3A_627, %swap3A_628] : memref<512x1024xi32, #tpu.memory_space<vmem>>, vector<512x1024xi32>
    tpu.vector_store %arg10[%swap3A_627, %swap3A_628], %select_n3A_626 {strides = array<i32>} : memref<512x1024xi32, #tpu.memory_space<vmem>>, vector<512x1024xi32>,
    %jit3A_630 = arith.constant 0x7F800000 : f32
    %broadcast_in_dim3A_631 = vector.broadcast %jit3A_630 : f32 to vector<512x1024xf32>
    %select_n3A_632 = arith.select %eq3A_615, %broadcast_in_dim3A_631, %get3A_618 : vector<512x1024xi1>, vector<512x1024xf32>
    %swap3A_633 = arith.constant 0 : index
    %swap3A_634 = arith.constant 0 : index
    %swap3A_635 = vector.load %arg9[%swap3A_633, %swap3A_634] : memref<512x1024xf32, #tpu.memory_space<vmem>>, vector<512x1024xf32>
    tpu.vector_store %arg9[%swap3A_633, %swap3A_634], %select_n3A_632 {strides = array<i32>} : memref<512x1024xf32, #tpu.memory_space<vmem>>, vector<512x1024xf32>,
    %get3A_636 = arith.constant 0 : index
    %get3A_637 = arith.constant 0 : index
    %get3A_638 = vector.load %arg8[%get3A_636, %get3A_637] : memref<512x1024xf32, #tpu.memory_space<vmem>>, vector<512x1024xf32>
    %get3A_639 = arith.constant 0 : index
    %get3A_640 = arith.constant 0 : index
    %get3A_641 = vector.load %arg10[%get3A_639, %get3A_640] : memref<512x1024xi32, #tpu.memory_space<vmem>>, vector<512x1024xi32>
    %reduce_min3A_642 = arith.constant dense<0x7F800000> : vector<512xf32>
    %reduce_min3A_643 = vector.multi_reduction <minimumf>, %get3A_638, %reduce_min3A_642 [1] : vector<512x1024xf32> to vector<512xf32>
    %broadcast_in_dim3A_644 = vector.shape_cast %reduce_min3A_643 : vector<512xf32> to vector<512x1xf32>
    %eq3A_645 = vector.broadcast %broadcast_in_dim3A_644 : vector<512x1xf32> to vector<512x1024xf32>
    %eq3A_646 = arith.cmpf oeq, %get3A_638, %eq3A_645 : vector<512x1024xf32>
    %jit3A_647 = arith.constant 4096 : i32
    %broadcast_in_dim3A_648 = vector.broadcast %jit3A_647 : i32 to vector<512x1024xi32>
    %select_n3A_649 = arith.select %eq3A_646, %get3A_641, %broadcast_in_dim3A_648 : vector<512x1024xi1>, vector<512x1024xi32>
    %reduce_min3A_650 = arith.constant dense<2147483647> : vector<512xi32>
    %reduce_min3A_651 = vector.multi_reduction <minsi>, %select_n3A_649, %reduce_min3A_650 [1] : vector<512x1024xi32> to vector<512xi32>
    %broadcast_in_dim3A_652 = vector.shape_cast %reduce_min3A_651 : vector<512xi32> to vector<512x1xi32>
    %eq3A_653 = arith.constant 12 : i32
    %eq3A_654 = vector.broadcast %eq3A_653 : i32 to vector<512x16xi32>
    %eq3A_655 = arith.cmpi eq, %iota3A_72, %eq3A_654 : vector<512x16xi32>
    %add3A_656 = vector.broadcast %mul3A_74 : i32 to vector<512x1xi32>
    %add3A_657 = arith.addi %broadcast_in_dim3A_652, %add3A_656 : vector<512x1xi32>
    %broadcast_in_dim3A_658 = vector.shape_cast %add3A_657 : vector<512x1xi32> to vector<512x1xi32>
    %broadcast_in_dim3A_659 = vector.broadcast %broadcast_in_dim3A_658 : vector<512x1xi32> to vector<512x16xi32>
    %select_n3A_660 = arith.select %eq3A_655, %broadcast_in_dim3A_659, %select_n3A_613 : vector<512x16xi1>, vector<512x16xi32>
    %eq3A_661 = vector.broadcast %broadcast_in_dim3A_652 : vector<512x1xi32> to vector<512x1024xi32>
    %eq3A_662 = arith.cmpi eq, %get3A_641, %eq3A_661 : vector<512x1024xi32>
    %get3A_663 = arith.constant 0 : index
    %get3A_664 = arith.constant 0 : index
    %get3A_665 = vector.load %arg9[%get3A_663, %get3A_664] : memref<512x1024xf32, #tpu.memory_space<vmem>>, vector<512x1024xf32>
    %select_n3A_666 = arith.select %eq3A_662, %get3A_665, %get3A_638 : vector<512x1024xi1>, vector<512x1024xf32>
    %swap3A_667 = arith.constant 0 : index
    %swap3A_668 = arith.constant 0 : index
    %swap3A_669 = vector.load %arg8[%swap3A_667, %swap3A_668] : memref<512x1024xf32, #tpu.memory_space<vmem>>, vector<512x1024xf32>
    tpu.vector_store %arg8[%swap3A_667, %swap3A_668], %select_n3A_666 {strides = array<i32>} : memref<512x1024xf32, #tpu.memory_space<vmem>>, vector<512x1024xf32>,
    %xor3A_670 = arith.constant 1024 : i32
    %xor3A_671 = vector.broadcast %xor3A_670 : i32 to vector<512x1024xi32>
    %xor3A_672 = arith.xori %get3A_641, %xor3A_671 : vector<512x1024xi32>
    %select_n3A_673 = arith.select %eq3A_662, %xor3A_672, %get3A_641 : vector<512x1024xi1>, vector<512x1024xi32>
    %swap3A_674 = arith.constant 0 : index
    %swap3A_675 = arith.constant 0 : index
    %swap3A_676 = vector.load %arg10[%swap3A_674, %swap3A_675] : memref<512x1024xi32, #tpu.memory_space<vmem>>, vector<512x1024xi32>
    tpu.vector_store %arg10[%swap3A_674, %swap3A_675], %select_n3A_673 {strides = array<i32>} : memref<512x1024xi32, #tpu.memory_space<vmem>>, vector<512x1024xi32>,
    %jit3A_677 = arith.constant 0x7F800000 : f32
    %broadcast_in_dim3A_678 = vector.broadcast %jit3A_677 : f32 to vector<512x1024xf32>
    %select_n3A_679 = arith.select %eq3A_662, %broadcast_in_dim3A_678, %get3A_665 : vector<512x1024xi1>, vector<512x1024xf32>
    %swap3A_680 = arith.constant 0 : index
    %swap3A_681 = arith.constant 0 : index
    %swap3A_682 = vector.load %arg9[%swap3A_680, %swap3A_681] : memref<512x1024xf32, #tpu.memory_space<vmem>>, vector<512x1024xf32>
    tpu.vector_store %arg9[%swap3A_680, %swap3A_681], %select_n3A_679 {strides = array<i32>} : memref<512x1024xf32, #tpu.memory_space<vmem>>, vector<512x1024xf32>,
    %get3A_683 = arith.constant 0 : index
    %get3A_684 = arith.constant 0 : index
    %get3A_685 = vector.load %arg8[%get3A_683, %get3A_684] : memref<512x1024xf32, #tpu.memory_space<vmem>>, vector<512x1024xf32>
    %get3A_686 = arith.constant 0 : index
    %get3A_687 = arith.constant 0 : index
    %get3A_688 = vector.load %arg10[%get3A_686, %get3A_687] : memref<512x1024xi32, #tpu.memory_space<vmem>>, vector<512x1024xi32>
    %reduce_min3A_689 = arith.constant dense<0x7F800000> : vector<512xf32>
    %reduce_min3A_690 = vector.multi_reduction <minimumf>, %get3A_685, %reduce_min3A_689 [1] : vector<512x1024xf32> to vector<512xf32>
    %broadcast_in_dim3A_691 = vector.shape_cast %reduce_min3A_690 : vector<512xf32> to vector<512x1xf32>
    %eq3A_692 = vector.broadcast %broadcast_in_dim3A_691 : vector<512x1xf32> to vector<512x1024xf32>
    %eq3A_693 = arith.cmpf oeq, %get3A_685, %eq3A_692 : vector<512x1024xf32>
    %jit3A_694 = arith.constant 4096 : i32
    %broadcast_in_dim3A_695 = vector.broadcast %jit3A_694 : i32 to vector<512x1024xi32>
    %select_n3A_696 = arith.select %eq3A_693, %get3A_688, %broadcast_in_dim3A_695 : vector<512x1024xi1>, vector<512x1024xi32>
    %reduce_min3A_697 = arith.constant dense<2147483647> : vector<512xi32>
    %reduce_min3A_698 = vector.multi_reduction <minsi>, %select_n3A_696, %reduce_min3A_697 [1] : vector<512x1024xi32> to vector<512xi32>
    %broadcast_in_dim3A_699 = vector.shape_cast %reduce_min3A_698 : vector<512xi32> to vector<512x1xi32>
    %eq3A_700 = arith.constant 13 : i32
    %eq3A_701 = vector.broadcast %eq3A_700 : i32 to vector<512x16xi32>
    %eq3A_702 = arith.cmpi eq, %iota3A_72, %eq3A_701 : vector<512x16xi32>
    %add3A_703 = vector.broadcast %mul3A_74 : i32 to vector<512x1xi32>
    %add3A_704 = arith.addi %broadcast_in_dim3A_699, %add3A_703 : vector<512x1xi32>
    %broadcast_in_dim3A_705 = vector.shape_cast %add3A_704 : vector<512x1xi32> to vector<512x1xi32>
    %broadcast_in_dim3A_706 = vector.broadcast %broadcast_in_dim3A_705 : vector<512x1xi32> to vector<512x16xi32>
    %select_n3A_707 = arith.select %eq3A_702, %broadcast_in_dim3A_706, %select_n3A_660 : vector<512x16xi1>, vector<512x16xi32>
    %eq3A_708 = vector.broadcast %broadcast_in_dim3A_699 : vector<512x1xi32> to vector<512x1024xi32>
    %eq3A_709 = arith.cmpi eq, %get3A_688, %eq3A_708 : vector<512x1024xi32>
    %get3A_710 = arith.constant 0 : index
    %get3A_711 = arith.constant 0 : index
    %get3A_712 = vector.load %arg9[%get3A_710, %get3A_711] : memref<512x1024xf32, #tpu.memory_space<vmem>>, vector<512x1024xf32>
    %select_n3A_713 = arith.select %eq3A_709, %get3A_712, %get3A_685 : vector<512x1024xi1>, vector<512x1024xf32>
    %swap3A_714 = arith.constant 0 : index
    %swap3A_715 = arith.constant 0 : index
    %swap3A_716 = vector.load %arg8[%swap3A_714, %swap3A_715] : memref<512x1024xf32, #tpu.memory_space<vmem>>, vector<512x1024xf32>
    tpu.vector_store %arg8[%swap3A_714, %swap3A_715], %select_n3A_713 {strides = array<i32>} : memref<512x1024xf32, #tpu.memory_space<vmem>>, vector<512x1024xf32>,
    %xor3A_717 = arith.constant 1024 : i32
    %xor3A_718 = vector.broadcast %xor3A_717 : i32 to vector<512x1024xi32>
    %xor3A_719 = arith.xori %get3A_688, %xor3A_718 : vector<512x1024xi32>
    %select_n3A_720 = arith.select %eq3A_709, %xor3A_719, %get3A_688 : vector<512x1024xi1>, vector<512x1024xi32>
    %swap3A_721 = arith.constant 0 : index
    %swap3A_722 = arith.constant 0 : index
    %swap3A_723 = vector.load %arg10[%swap3A_721, %swap3A_722] : memref<512x1024xi32, #tpu.memory_space<vmem>>, vector<512x1024xi32>
    tpu.vector_store %arg10[%swap3A_721, %swap3A_722], %select_n3A_720 {strides = array<i32>} : memref<512x1024xi32, #tpu.memory_space<vmem>>, vector<512x1024xi32>,
    %jit3A_724 = arith.constant 0x7F800000 : f32
    %broadcast_in_dim3A_725 = vector.broadcast %jit3A_724 : f32 to vector<512x1024xf32>
    %select_n3A_726 = arith.select %eq3A_709, %broadcast_in_dim3A_725, %get3A_712 : vector<512x1024xi1>, vector<512x1024xf32>
    %swap3A_727 = arith.constant 0 : index
    %swap3A_728 = arith.constant 0 : index
    %swap3A_729 = vector.load %arg9[%swap3A_727, %swap3A_728] : memref<512x1024xf32, #tpu.memory_space<vmem>>, vector<512x1024xf32>
    tpu.vector_store %arg9[%swap3A_727, %swap3A_728], %select_n3A_726 {strides = array<i32>} : memref<512x1024xf32, #tpu.memory_space<vmem>>, vector<512x1024xf32>,
    %get3A_730 = arith.constant 0 : index
    %get3A_731 = arith.constant 0 : index
    %get3A_732 = vector.load %arg8[%get3A_730, %get3A_731] : memref<512x1024xf32, #tpu.memory_space<vmem>>, vector<512x1024xf32>
    %get3A_733 = arith.constant 0 : index
    %get3A_734 = arith.constant 0 : index
    %get3A_735 = vector.load %arg10[%get3A_733, %get3A_734] : memref<512x1024xi32, #tpu.memory_space<vmem>>, vector<512x1024xi32>
    %reduce_min3A_736 = arith.constant dense<0x7F800000> : vector<512xf32>
    %reduce_min3A_737 = vector.multi_reduction <minimumf>, %get3A_732, %reduce_min3A_736 [1] : vector<512x1024xf32> to vector<512xf32>
    %broadcast_in_dim3A_738 = vector.shape_cast %reduce_min3A_737 : vector<512xf32> to vector<512x1xf32>
    %eq3A_739 = vector.broadcast %broadcast_in_dim3A_738 : vector<512x1xf32> to vector<512x1024xf32>
    %eq3A_740 = arith.cmpf oeq, %get3A_732, %eq3A_739 : vector<512x1024xf32>
    %jit3A_741 = arith.constant 4096 : i32
    %broadcast_in_dim3A_742 = vector.broadcast %jit3A_741 : i32 to vector<512x1024xi32>
    %select_n3A_743 = arith.select %eq3A_740, %get3A_735, %broadcast_in_dim3A_742 : vector<512x1024xi1>, vector<512x1024xi32>
    %reduce_min3A_744 = arith.constant dense<2147483647> : vector<512xi32>
    %reduce_min3A_745 = vector.multi_reduction <minsi>, %select_n3A_743, %reduce_min3A_744 [1] : vector<512x1024xi32> to vector<512xi32>
    %broadcast_in_dim3A_746 = vector.shape_cast %reduce_min3A_745 : vector<512xi32> to vector<512x1xi32>
    %eq3A_747 = arith.constant 14 : i32
    %eq3A_748 = vector.broadcast %eq3A_747 : i32 to vector<512x16xi32>
    %eq3A_749 = arith.cmpi eq, %iota3A_72, %eq3A_748 : vector<512x16xi32>
    %add3A_750 = vector.broadcast %mul3A_74 : i32 to vector<512x1xi32>
    %add3A_751 = arith.addi %broadcast_in_dim3A_746, %add3A_750 : vector<512x1xi32>
    %broadcast_in_dim3A_752 = vector.shape_cast %add3A_751 : vector<512x1xi32> to vector<512x1xi32>
    %broadcast_in_dim3A_753 = vector.broadcast %broadcast_in_dim3A_752 : vector<512x1xi32> to vector<512x16xi32>
    %select_n3A_754 = arith.select %eq3A_749, %broadcast_in_dim3A_753, %select_n3A_707 : vector<512x16xi1>, vector<512x16xi32>
    %eq3A_755 = vector.broadcast %broadcast_in_dim3A_746 : vector<512x1xi32> to vector<512x1024xi32>
    %eq3A_756 = arith.cmpi eq, %get3A_735, %eq3A_755 : vector<512x1024xi32>
    %get3A_757 = arith.constant 0 : index
    %get3A_758 = arith.constant 0 : index
    %get3A_759 = vector.load %arg9[%get3A_757, %get3A_758] : memref<512x1024xf32, #tpu.memory_space<vmem>>, vector<512x1024xf32>
    %select_n3A_760 = arith.select %eq3A_756, %get3A_759, %get3A_732 : vector<512x1024xi1>, vector<512x1024xf32>
    %swap3A_761 = arith.constant 0 : index
    %swap3A_762 = arith.constant 0 : index
    %swap3A_763 = vector.load %arg8[%swap3A_761, %swap3A_762] : memref<512x1024xf32, #tpu.memory_space<vmem>>, vector<512x1024xf32>
    tpu.vector_store %arg8[%swap3A_761, %swap3A_762], %select_n3A_760 {strides = array<i32>} : memref<512x1024xf32, #tpu.memory_space<vmem>>, vector<512x1024xf32>,
    %xor3A_764 = arith.constant 1024 : i32
    %xor3A_765 = vector.broadcast %xor3A_764 : i32 to vector<512x1024xi32>
    %xor3A_766 = arith.xori %get3A_735, %xor3A_765 : vector<512x1024xi32>
    %select_n3A_767 = arith.select %eq3A_756, %xor3A_766, %get3A_735 : vector<512x1024xi1>, vector<512x1024xi32>
    %swap3A_768 = arith.constant 0 : index
    %swap3A_769 = arith.constant 0 : index
    %swap3A_770 = vector.load %arg10[%swap3A_768, %swap3A_769] : memref<512x1024xi32, #tpu.memory_space<vmem>>, vector<512x1024xi32>
    tpu.vector_store %arg10[%swap3A_768, %swap3A_769], %select_n3A_767 {strides = array<i32>} : memref<512x1024xi32, #tpu.memory_space<vmem>>, vector<512x1024xi32>,
    %jit3A_771 = arith.constant 0x7F800000 : f32
    %broadcast_in_dim3A_772 = vector.broadcast %jit3A_771 : f32 to vector<512x1024xf32>
    %select_n3A_773 = arith.select %eq3A_756, %broadcast_in_dim3A_772, %get3A_759 : vector<512x1024xi1>, vector<512x1024xf32>
    %swap3A_774 = arith.constant 0 : index
    %swap3A_775 = arith.constant 0 : index
    %swap3A_776 = vector.load %arg9[%swap3A_774, %swap3A_775] : memref<512x1024xf32, #tpu.memory_space<vmem>>, vector<512x1024xf32>
    tpu.vector_store %arg9[%swap3A_774, %swap3A_775], %select_n3A_773 {strides = array<i32>} : memref<512x1024xf32, #tpu.memory_space<vmem>>, vector<512x1024xf32>,
    %get3A_777 = arith.constant 0 : index
    %get3A_778 = arith.constant 0 : index
    %get3A_779 = vector.load %arg8[%get3A_777, %get3A_778] : memref<512x1024xf32, #tpu.memory_space<vmem>>, vector<512x1024xf32>
    %get3A_780 = arith.constant 0 : index
    %get3A_781 = arith.constant 0 : index
    %get3A_782 = vector.load %arg10[%get3A_780, %get3A_781] : memref<512x1024xi32, #tpu.memory_space<vmem>>, vector<512x1024xi32>
    %reduce_min3A_783 = arith.constant dense<0x7F800000> : vector<512xf32>
    %reduce_min3A_784 = vector.multi_reduction <minimumf>, %get3A_779, %reduce_min3A_783 [1] : vector<512x1024xf32> to vector<512xf32>
    %broadcast_in_dim3A_785 = vector.shape_cast %reduce_min3A_784 : vector<512xf32> to vector<512x1xf32>
    %eq3A_786 = vector.broadcast %broadcast_in_dim3A_785 : vector<512x1xf32> to vector<512x1024xf32>
    %eq3A_787 = arith.cmpf oeq, %get3A_779, %eq3A_786 : vector<512x1024xf32>
    %jit3A_788 = arith.constant 4096 : i32
    %broadcast_in_dim3A_789 = vector.broadcast %jit3A_788 : i32 to vector<512x1024xi32>
    %select_n3A_790 = arith.select %eq3A_787, %get3A_782, %broadcast_in_dim3A_789 : vector<512x1024xi1>, vector<512x1024xi32>
    %reduce_min3A_791 = arith.constant dense<2147483647> : vector<512xi32>
    %reduce_min3A_792 = vector.multi_reduction <minsi>, %select_n3A_790, %reduce_min3A_791 [1] : vector<512x1024xi32> to vector<512xi32>
    %broadcast_in_dim3A_793 = vector.shape_cast %reduce_min3A_792 : vector<512xi32> to vector<512x1xi32>
    %eq3A_794 = arith.constant 15 : i32
    %eq3A_795 = vector.broadcast %eq3A_794 : i32 to vector<512x16xi32>
    %eq3A_796 = arith.cmpi eq, %iota3A_72, %eq3A_795 : vector<512x16xi32>
    %add3A_797 = vector.broadcast %mul3A_74 : i32 to vector<512x1xi32>
    %add3A_798 = arith.addi %broadcast_in_dim3A_793, %add3A_797 : vector<512x1xi32>
    %broadcast_in_dim3A_799 = vector.shape_cast %add3A_798 : vector<512x1xi32> to vector<512x1xi32>
    %broadcast_in_dim3A_800 = vector.broadcast %broadcast_in_dim3A_799 : vector<512x1xi32> to vector<512x16xi32>
    %select_n3A_801 = arith.select %eq3A_796, %broadcast_in_dim3A_800, %select_n3A_754 : vector<512x16xi1>, vector<512x16xi32>
    %eq3A_802 = vector.broadcast %broadcast_in_dim3A_793 : vector<512x1xi32> to vector<512x1024xi32>
    %eq3A_803 = arith.cmpi eq, %get3A_782, %eq3A_802 : vector<512x1024xi32>
    %get3A_804 = arith.constant 0 : index
    %get3A_805 = arith.constant 0 : index
    %get3A_806 = vector.load %arg9[%get3A_804, %get3A_805] : memref<512x1024xf32, #tpu.memory_space<vmem>>, vector<512x1024xf32>
    %select_n3A_807 = arith.select %eq3A_803, %get3A_806, %get3A_779 : vector<512x1024xi1>, vector<512x1024xf32>
    %swap3A_808 = arith.constant 0 : index
    %swap3A_809 = arith.constant 0 : index
    %swap3A_810 = vector.load %arg8[%swap3A_808, %swap3A_809] : memref<512x1024xf32, #tpu.memory_space<vmem>>, vector<512x1024xf32>
    tpu.vector_store %arg8[%swap3A_808, %swap3A_809], %select_n3A_807 {strides = array<i32>} : memref<512x1024xf32, #tpu.memory_space<vmem>>, vector<512x1024xf32>,
    %xor3A_811 = arith.constant 1024 : i32
    %xor3A_812 = vector.broadcast %xor3A_811 : i32 to vector<512x1024xi32>
    %xor3A_813 = arith.xori %get3A_782, %xor3A_812 : vector<512x1024xi32>
    %select_n3A_814 = arith.select %eq3A_803, %xor3A_813, %get3A_782 : vector<512x1024xi1>, vector<512x1024xi32>
    %swap3A_815 = arith.constant 0 : index
    %swap3A_816 = arith.constant 0 : index
    %swap3A_817 = vector.load %arg10[%swap3A_815, %swap3A_816] : memref<512x1024xi32, #tpu.memory_space<vmem>>, vector<512x1024xi32>
    tpu.vector_store %arg10[%swap3A_815, %swap3A_816], %select_n3A_814 {strides = array<i32>} : memref<512x1024xi32, #tpu.memory_space<vmem>>, vector<512x1024xi32>,
    %jit3A_818 = arith.constant 0x7F800000 : f32
    %broadcast_in_dim3A_819 = vector.broadcast %jit3A_818 : f32 to vector<512x1024xf32>
    %select_n3A_820 = arith.select %eq3A_803, %broadcast_in_dim3A_819, %get3A_806 : vector<512x1024xi1>, vector<512x1024xf32>
    %swap3A_821 = arith.constant 0 : index
    %swap3A_822 = arith.constant 0 : index
    %swap3A_823 = vector.load %arg9[%swap3A_821, %swap3A_822] : memref<512x1024xf32, #tpu.memory_space<vmem>>, vector<512x1024xf32>
    tpu.vector_store %arg9[%swap3A_821, %swap3A_822], %select_n3A_820 {strides = array<i32>} : memref<512x1024xf32, #tpu.memory_space<vmem>>, vector<512x1024xf32>,
    %swap3A_824 = arith.constant 0 : index
    %swap3A_825 = arith.constant 0 : index
    %swap3A_826 = arith.constant 0 : index
    %swap3A_827 = vector.load %arg7[%swap3A_824, %swap3A_825, %swap3A_826] : memref<1x512x16xi32, #tpu.memory_space<vmem>>, vector<1x512x16xi32>
    %swap3A_828 = vector.shape_cast %swap3A_827 : vector<1x512x16xi32> to vector<512x16xi32>
    %swap3A_829 = vector.shape_cast %select_n3A_801 : vector<512x16xi32> to vector<1x512x16xi32>
    tpu.vector_store %arg7[%swap3A_824, %swap3A_825, %swap3A_826], %swap3A_829 {strides = array<i32>} : memref<1x512x16xi32, #tpu.memory_space<vmem>>, vector<1x512x16xi32>,
    return
  }
  func.func @transform_0(%arg0: i32) -> (i32, i32, i32) {
    %c0_i32 = arith.constant 0 : i32
    %c0_i32_0 = arith.constant 0 : i32
    %c0_i32_1 = arith.constant 0 : i32
    return %arg0, %c0_i32, %c0_i32_0 : i32, i32, i32
  }
  func.func @transform_1(%arg0: i32) -> (i32, i32, i32) {
    %c0_i32 = arith.constant 0 : i32
    %c0_i32_0 = arith.constant 0 : i32
    %c0_i32_1 = arith.constant 0 : i32
    return %arg0, %c0_i32, %c0_i32_0 : i32, i32, i32
  }
  func.func @transform_2(%arg0: i32) -> (i32, i32, i32) {
    %c0_i32 = arith.constant 0 : i32
    %c0_i32_0 = arith.constant 0 : i32
    %c0_i32_1 = arith.constant 0 : i32
    return %arg0, %c0_i32, %c0_i32_0 : i32, i32, i32
  }
  func.func @transform_3(%arg0: i32) -> (i32, i32, i32) {
    %c0_i32 = arith.constant 0 : i32
    %c0_i32_0 = arith.constant 0 : i32
    %c0_i32_1 = arith.constant 0 : i32
    return %arg0, %c0_i32, %c0_i32_0 : i32, i32, i32
  }
  func.func @transform_4(%arg0: i32) -> (i32, i32, i32) {
    %c0_i32 = arith.constant 0 : i32
    %c0_i32_0 = arith.constant 0 : i32
    %c0_i32_1 = arith.constant 0 : i32
    return %arg0, %c0_i32, %c0_i32_0 : i32, i32, i32
  }
  func.func @transform_5(%arg0: i32) -> (i32, i32, i32) {
    %c0_i32 = arith.constant 0 : i32
    %c0_i32_0 = arith.constant 0 : i32
    %c0_i32_1 = arith.constant 0 : i32
    return %arg0, %c0_i32, %c0_i32_0 : i32, i32, i32
  }
  func.func @transform_6(%arg0: i32) -> (i32, i32, i32) {
    %c0_i32 = arith.constant 0 : i32
    %c0_i32_0 = arith.constant 0 : i32
    %c0_i32_1 = arith.constant 0 : i32
    return %arg0, %c0_i32, %c0_i32_0 : i32, i32, i32
  }
}

module attributes {stable_mosaic.version = 14 : i64} {
  func.func @_mlp_body(%arg0: i32, %arg1: memref<4096x128xf32, #tpu.memory_space<vmem>>, %arg2: memref<512x64xf32, #tpu.memory_space<vmem>>, %arg3: memref<128x128xf32, #tpu.memory_space<vmem>>, %arg4: memref<512x64xf32, #tpu.memory_space<vmem>>, %arg5: memref<512x64xf32, #tpu.memory_space<vmem>>, %arg6: memref<1x1x64xf32, #tpu.memory_space<vmem>>, %arg7: memref<1x1x64xf32, #tpu.memory_space<vmem>>) attributes {dimension_semantics = [#tpu.dimension_semantics<arbitrary>], iteration_bounds = array<i64: 8>, scalar_prefetch = 0 : i64, scratch_operands = 0 : i64, tpu.core_type = #tpu.core_type<tc>, window_params = [{transform_indices = @transform_0, window_bounds = array<i64: 4096, 128>}, {transform_indices = @transform_1, window_bounds = array<i64: 512, 64>}, {pipeline_mode = #tpu.pipeline_mode<synchronous>, transform_indices = @transform_2, window_bounds = array<i64: 128, 128>}, {transform_indices = @transform_3, window_bounds = array<i64: 512, 64>}, {transform_indices = @transform_4, window_bounds = array<i64: 512, 64>}, {transform_indices = @transform_5, window_bounds = array<i64: 1, 1, 64>}, {transform_indices = @transform_6, window_bounds = array<i64: 1, 1, 64>}]} {
    %get3A = arith.constant 0 : index
    %get3A_0 = arith.constant 0 : index
    %get3A_1 = vector.load %arg1[%get3A, %get3A_0] : memref<4096x128xf32, #tpu.memory_space<vmem>>, vector<4096x128xf32>
    %get3A_2 = arith.constant 0 : index
    %get3A_3 = arith.constant 0 : index
    %get3A_4 = vector.load %arg3[%get3A_2, %get3A_3] : memref<128x128xf32, #tpu.memory_space<vmem>>, vector<128x128xf32>
    %dot_general3A = arith.constant dense<0.000000e+00> : vector<4096x128xf32>
    %dot_general3A_5 = tpu.matmul %get3A_1, %get3A_4, %dot_general3A {dimension_numbers = #tpu.dot_dimension_numbers<[1], [0], [0], [1], [0, 0, 1, 1], [], []>, transpose_lhs_hint = false} : vector<4096x128xf32>, vector<128x128xf32>, vector<4096x128xf32> -> vector<4096x128xf32>
    %get3A_6 = arith.constant 0 : index
    %get3A_7 = arith.constant 0 : index
    %get3A_8 = vector.load %arg2[%get3A_6, %get3A_7] : memref<512x64xf32, #tpu.memory_space<vmem>>, vector<512x64xf32>
    %get3A_9 = arith.constant 0 : index
    %get3A_10 = arith.constant 0 : index
    %get3A_11 = vector.load %arg3[%get3A_9, %get3A_10] : memref<128x128xf32, #tpu.memory_space<vmem>>, vector<64x64xf32>
    %dot_general3A_12 = arith.constant dense<0.000000e+00> : vector<512x64xf32>
    %dot_general3A_13 = tpu.matmul %get3A_8, %get3A_11, %dot_general3A_12 {dimension_numbers = #tpu.dot_dimension_numbers<[1], [0], [0], [1], [0, 0, 1, 1], [], []>, transpose_lhs_hint = false} : vector<512x64xf32>, vector<64x64xf32>, vector<512x64xf32> -> vector<512x64xf32>
    %concatenate3A = tpu.concatenate %dot_general3A_13, %dot_general3A_13 in 1 : vector<512x64xf32>, vector<512x64xf32> -> vector<512x128xf32>
    %reshape3A = vector.shape_cast %dot_general3A_5 : vector<4096x128xf32> to vector<512x8x128xf32>
    %broadcast_in_dim3A = vector.shape_cast %concatenate3A : vector<512x128xf32> to vector<512x1x128xf32>
    %sub3A = vector.broadcast %broadcast_in_dim3A : vector<512x1x128xf32> to vector<512x8x128xf32>
    %sub3A_14 = arith.subf %reshape3A, %sub3A : vector<512x8x128xf32>
    %reduce_max3A = arith.constant dense<0xFF800000> : vector<512x128xf32>
    %reduce_max3A_15 = vector.multi_reduction <maximumf>, %sub3A_14, %reduce_max3A [1] : vector<512x8x128xf32> to vector<512x128xf32>
    %reduce_min3A = arith.constant dense<0x7F800000> : vector<512x128xf32>
    %reduce_min3A_16 = vector.multi_reduction <minimumf>, %sub3A_14, %reduce_min3A [1] : vector<512x8x128xf32> to vector<512x128xf32>
    %slice3A = vector.extract_strided_slice %reduce_max3A_15 {offsets = [0, 0], sizes = [512, 64], strides = [1, 1]} : vector<512x128xf32> to vector<512x64xf32>
    %slice3A_17 = vector.extract_strided_slice %reduce_max3A_15 {offsets = [0, 64], sizes = [512, 64], strides = [1, 1]} : vector<512x128xf32> to vector<512x64xf32>
    %max3A = arith.maximumf %slice3A, %slice3A_17 : vector<512x64xf32>
    %swap3A = arith.constant 0 : index
    %swap3A_18 = arith.constant 0 : index
    %swap3A_19 = vector.load %arg4[%swap3A, %swap3A_18] : memref<512x64xf32, #tpu.memory_space<vmem>>, vector<512x64xf32>
    tpu.vector_store %arg4[%swap3A, %swap3A_18], %max3A {strides = array<i32>} : memref<512x64xf32, #tpu.memory_space<vmem>>, vector<512x64xf32>,
    %slice3A_20 = vector.extract_strided_slice %reduce_min3A_16 {offsets = [0, 0], sizes = [512, 64], strides = [1, 1]} : vector<512x128xf32> to vector<512x64xf32>
    %slice3A_21 = vector.extract_strided_slice %reduce_min3A_16 {offsets = [0, 64], sizes = [512, 64], strides = [1, 1]} : vector<512x128xf32> to vector<512x64xf32>
    %min3A = arith.minimumf %slice3A_20, %slice3A_21 : vector<512x64xf32>
    %swap3A_22 = arith.constant 0 : index
    %swap3A_23 = arith.constant 0 : index
    %swap3A_24 = vector.load %arg5[%swap3A_22, %swap3A_23] : memref<512x64xf32, #tpu.memory_space<vmem>>, vector<512x64xf32>
    tpu.vector_store %arg5[%swap3A_22, %swap3A_23], %min3A {strides = array<i32>} : memref<512x64xf32, #tpu.memory_space<vmem>>, vector<512x64xf32>,
    %reduce_sum3A = arith.constant dense<0.000000e+00> : vector<128xf32>
    %reduce_sum3A_25 = vector.multi_reduction <add>, %sub3A_14, %reduce_sum3A [0, 1] : vector<512x8x128xf32> to vector<128xf32>
    %mul3A = arith.mulf %sub3A_14, %sub3A_14 : vector<512x8x128xf32>
    %reduce_sum3A_26 = arith.constant dense<0.000000e+00> : vector<128xf32>
    %reduce_sum3A_27 = vector.multi_reduction <add>, %mul3A, %reduce_sum3A_26 [0, 1] : vector<512x8x128xf32> to vector<128xf32>
    %slice3A_28 = vector.extract_strided_slice %reduce_sum3A_25 {offsets = [0], sizes = [64], strides = [1]} : vector<128xf32> to vector<64xf32>
    %slice3A_29 = vector.extract_strided_slice %reduce_sum3A_25 {offsets = [64], sizes = [64], strides = [1]} : vector<128xf32> to vector<64xf32>
    %add3A = arith.addf %slice3A_28, %slice3A_29 : vector<64xf32>
    %broadcast_in_dim3A_30 = vector.shape_cast %add3A : vector<64xf32> to vector<1x64xf32>
    %swap3A_31 = arith.constant 0 : index
    %swap3A_32 = arith.constant 0 : index
    %swap3A_33 = arith.constant 0 : index
    %swap3A_34 = vector.load %arg6[%swap3A_31, %swap3A_32, %swap3A_33] : memref<1x1x64xf32, #tpu.memory_space<vmem>>, vector<1x1x64xf32>
    %swap3A_35 = vector.shape_cast %swap3A_34 : vector<1x1x64xf32> to vector<1x64xf32>
    %swap3A_36 = vector.shape_cast %broadcast_in_dim3A_30 : vector<1x64xf32> to vector<1x1x64xf32>
    tpu.vector_store %arg6[%swap3A_31, %swap3A_32, %swap3A_33], %swap3A_36 {strides = array<i32>} : memref<1x1x64xf32, #tpu.memory_space<vmem>>, vector<1x1x64xf32>,
    %slice3A_37 = vector.extract_strided_slice %reduce_sum3A_27 {offsets = [0], sizes = [64], strides = [1]} : vector<128xf32> to vector<64xf32>
    %slice3A_38 = vector.extract_strided_slice %reduce_sum3A_27 {offsets = [64], sizes = [64], strides = [1]} : vector<128xf32> to vector<64xf32>
    %add3A_39 = arith.addf %slice3A_37, %slice3A_38 : vector<64xf32>
    %broadcast_in_dim3A_40 = vector.shape_cast %add3A_39 : vector<64xf32> to vector<1x64xf32>
    %swap3A_41 = arith.constant 0 : index
    %swap3A_42 = arith.constant 0 : index
    %swap3A_43 = arith.constant 0 : index
    %swap3A_44 = vector.load %arg7[%swap3A_41, %swap3A_42, %swap3A_43] : memref<1x1x64xf32, #tpu.memory_space<vmem>>, vector<1x1x64xf32>
    %swap3A_45 = vector.shape_cast %swap3A_44 : vector<1x1x64xf32> to vector<1x64xf32>
    %swap3A_46 = vector.shape_cast %broadcast_in_dim3A_40 : vector<1x64xf32> to vector<1x1x64xf32>
    tpu.vector_store %arg7[%swap3A_41, %swap3A_42, %swap3A_43], %swap3A_46 {strides = array<i32>} : memref<1x1x64xf32, #tpu.memory_space<vmem>>, vector<1x1x64xf32>,
    return
  }
  func.func @transform_0(%arg0: i32) -> (i32, i32) {
    %c0_i32 = arith.constant 0 : i32
    %c0_i32_0 = arith.constant 0 : i32
    return %arg0, %c0_i32 : i32, i32
  }
  func.func @transform_1(%arg0: i32) -> (i32, i32) {
    %c0_i32 = arith.constant 0 : i32
    %c0_i32_0 = arith.constant 0 : i32
    return %arg0, %c0_i32 : i32, i32
  }
  func.func @transform_2(%arg0: i32) -> (i32, i32) {
    %c0_i32 = arith.constant 0 : i32
    %c0_i32_0 = arith.constant 0 : i32
    %c0_i32_1 = arith.constant 0 : i32
    return %c0_i32, %c0_i32_0 : i32, i32
  }
  func.func @transform_3(%arg0: i32) -> (i32, i32) {
    %c0_i32 = arith.constant 0 : i32
    %c0_i32_0 = arith.constant 0 : i32
    return %arg0, %c0_i32 : i32, i32
  }
  func.func @transform_4(%arg0: i32) -> (i32, i32) {
    %c0_i32 = arith.constant 0 : i32
    %c0_i32_0 = arith.constant 0 : i32
    return %arg0, %c0_i32 : i32, i32
  }
  func.func @transform_5(%arg0: i32) -> (i32, i32, i32) {
    %c0_i32 = arith.constant 0 : i32
    %c0_i32_0 = arith.constant 0 : i32
    %c0_i32_1 = arith.constant 0 : i32
    return %arg0, %c0_i32, %c0_i32_0 : i32, i32, i32
  }
  func.func @transform_6(%arg0: i32) -> (i32, i32, i32) {
    %c0_i32 = arith.constant 0 : i32
    %c0_i32_0 = arith.constant 0 : i32
    %c0_i32_1 = arith.constant 0 : i32
    return %arg0, %c0_i32, %c0_i32_0 : i32, i32, i32
  }
}

module attributes {stable_mosaic.version = 14 : i64} {
  func.func @_fin_body(%arg0: memref<4096x64xf32, #tpu.memory_space<vmem>>, %arg1: memref<4096x64xf32, #tpu.memory_space<vmem>>, %arg2: memref<8x1x64xf32, #tpu.memory_space<vmem>>, %arg3: memref<8x1x64xf32, #tpu.memory_space<vmem>>, %arg4: memref<1x64xf32, #tpu.memory_space<vmem>>, %arg5: memref<1x64xf32, #tpu.memory_space<vmem>>, %arg6: memref<4096x64xf32, #tpu.memory_space<vmem>>) attributes {dimension_semantics = [], scalar_prefetch = 0 : i64, scratch_operands = 0 : i64, tpu.core_type = #tpu.core_type<tc>} {
    %get3A = arith.constant 0 : index
    %get3A_0 = arith.constant 0 : index
    %get3A_1 = arith.constant 0 : index
    %get3A_2 = vector.load %arg2[%get3A, %get3A_0, %get3A_1] : memref<8x1x64xf32, #tpu.memory_space<vmem>>, vector<8x1x64xf32>
    %reduce_sum3A = arith.constant dense<0.000000e+00> : vector<64xf32>
    %reduce_sum3A_3 = vector.multi_reduction <add>, %get3A_2, %reduce_sum3A [0, 1] : vector<8x1x64xf32> to vector<64xf32>
    %broadcast_in_dim3A = vector.shape_cast %reduce_sum3A_3 : vector<64xf32> to vector<1x64xf32>
    %get3A_4 = arith.constant 0 : index
    %get3A_5 = arith.constant 0 : index
    %get3A_6 = arith.constant 0 : index
    %get3A_7 = vector.load %arg3[%get3A_4, %get3A_5, %get3A_6] : memref<8x1x64xf32, #tpu.memory_space<vmem>>, vector<8x1x64xf32>
    %reduce_sum3A_8 = arith.constant dense<0.000000e+00> : vector<64xf32>
    %reduce_sum3A_9 = vector.multi_reduction <add>, %get3A_7, %reduce_sum3A_8 [0, 1] : vector<8x1x64xf32> to vector<64xf32>
    %broadcast_in_dim3A_10 = vector.shape_cast %reduce_sum3A_9 : vector<64xf32> to vector<1x64xf32>
    %div3A = arith.constant 6.553600e+04 : f32
    %div3A_11 = vector.broadcast %div3A : f32 to vector<1x64xf32>
    %div3A_12 = arith.divf %broadcast_in_dim3A, %div3A_11 : vector<1x64xf32>
    %div3A_13 = arith.constant 6.553600e+04 : f32
    %div3A_14 = vector.broadcast %div3A_13 : f32 to vector<1x64xf32>
    %div3A_15 = arith.divf %broadcast_in_dim3A_10, %div3A_14 : vector<1x64xf32>
    %mul3A = arith.mulf %div3A_12, %div3A_12 : vector<1x64xf32>
    %sub3A = arith.subf %div3A_15, %mul3A : vector<1x64xf32>
    %get3A_16 = arith.constant 0 : index
    %get3A_17 = arith.constant 0 : index
    %get3A_18 = vector.load %arg4[%get3A_16, %get3A_17] : memref<1x64xf32, #tpu.memory_space<vmem>>, vector<1x64xf32>
    %add3A = arith.constant 9.99999974E-6 : f32
    %add3A_19 = vector.broadcast %add3A : f32 to vector<1x64xf32>
    %add3A_20 = arith.addf %sub3A, %add3A_19 : vector<1x64xf32>
    %sqrt3A = math.sqrt %add3A_20 : vector<1x64xf32>
    %div3A_21 = arith.divf %get3A_18, %sqrt3A : vector<1x64xf32>
    %get3A_22 = arith.constant 0 : index
    %get3A_23 = arith.constant 0 : index
    %get3A_24 = vector.load %arg5[%get3A_22, %get3A_23] : memref<1x64xf32, #tpu.memory_space<vmem>>, vector<1x64xf32>
    %mul3A_25 = arith.mulf %div3A_12, %div3A_21 : vector<1x64xf32>
    %sub3A_26 = arith.subf %get3A_24, %mul3A_25 : vector<1x64xf32>
    %get3A_27 = arith.constant 0 : index
    %get3A_28 = arith.constant 0 : index
    %get3A_29 = vector.load %arg0[%get3A_27, %get3A_28] : memref<4096x64xf32, #tpu.memory_space<vmem>>, vector<4096x64xf32>
    %mul3A_30 = vector.broadcast %div3A_21 : vector<1x64xf32> to vector<4096x64xf32>
    %mul3A_31 = arith.mulf %mul3A_30, %get3A_29 : vector<4096x64xf32>
    %add3A_32 = vector.broadcast %sub3A_26 : vector<1x64xf32> to vector<4096x64xf32>
    %add3A_33 = arith.addf %mul3A_31, %add3A_32 : vector<4096x64xf32>
    %get3A_34 = arith.constant 0 : index
    %get3A_35 = arith.constant 0 : index
    %get3A_36 = vector.load %arg1[%get3A_34, %get3A_35] : memref<4096x64xf32, #tpu.memory_space<vmem>>, vector<4096x64xf32>
    %mul3A_37 = vector.broadcast %div3A_21 : vector<1x64xf32> to vector<4096x64xf32>
    %mul3A_38 = arith.mulf %mul3A_37, %get3A_36 : vector<4096x64xf32>
    %add3A_39 = vector.broadcast %sub3A_26 : vector<1x64xf32> to vector<4096x64xf32>
    %add3A_40 = arith.addf %mul3A_38, %add3A_39 : vector<4096x64xf32>
    %max3A = arith.maximumf %add3A_33, %add3A_40 : vector<4096x64xf32>
    %max3A_41 = arith.constant 0.000000e+00 : f32
    %max3A_42 = vector.broadcast %max3A_41 : f32 to vector<4096x64xf32>
    %max3A_43 = arith.maximumf %max3A, %max3A_42 : vector<4096x64xf32>
    %swap3A = arith.constant 0 : index
    %swap3A_44 = arith.constant 0 : index
    %swap3A_45 = vector.load %arg6[%swap3A, %swap3A_44] : memref<4096x64xf32, #tpu.memory_space<vmem>>, vector<4096x64xf32>
    tpu.vector_store %arg6[%swap3A, %swap3A_44], %max3A_43 {strides = array<i32>} : memref<4096x64xf32, #tpu.memory_space<vmem>>, vector<4096x64xf32>,
    return
  }
}

</mosaic_0001>

<sc_bundles>
// kernel: kernel.7.cloned.1.call-start
scs
__scs_entry_jumppad:
0x0: {  	(pc) =	sbr.rel $0x88, $3  }
0x1: {  	(tag) =	ssettag $0x0;
	lr =	simm.s32 $0x1  }
0x2: {  	[smem:$0x3F9C] =	sst lr;
	_ =	strace $0xD0000000  }
0x3: {  	_ = 	snop  }
0x4: {  	_ = 	snop  }
0x5: {  	_ = 	snop  }
0x6: {  	_ = 	snop  }
0x7: {  	_ = 	snop  }
__scs_overlays_trampoline_lowered:
0x8: {  	[smem:$0x3FAB] =	sst s0  }
0x9: {  	[smem:$0x3FAC] =	sst s1  }
0xa: {  	[smem:$0x3FAD] =	sst s2  }
0xb: {  	[smem:$0x3FAE] =	sst s3  }
0xc: {  	[smem:$0x3FAF] =	sst s4  }
0xd: {  	[smem:$0x3FB0] =	sst s5  }
0xe: {  	[smem:$0x3FB1] =	sst s6  }
0xf: {  	[smem:$0x3FB2] =	sst s7  }
0x10: {  	[smem:$0x3FB3] =	sst s8  }
0x11: {  	[smem:$0x3FB4] =	sst s9;
	s0 =	simm.s32 @!p0 $0x0  }
0x12: {  	s1 =	sld [smem:$0x3F9A];
	s0 =	simm.s32 @p0 $0x1  }
0x13: {  	[smem:$0x3FB5] =	sst s0;
	s0 =	simm.s32 @!p1 $0x0  }
0x14: {  	s2 =	sld [smem:$0x3F99];
	s0 =	simm.s32 @p1 $0x1  }
0x15: {  	[smem:$0x3FB6] =	sst s0;
	s0 =	simm.s32 @!p2 $0x0  }
0x16: {  	s3 =	sld [smem:$0x3FDB];
	s0 =	simm.s32 @p2 $0x1  }
0x17: {  	s4 =	simm.s32 $0x1BF5;
	[smem:$0x3FB8] =	sst s0  }
0x18: {  	s0 =	sld [smem:$0x3F9B];
	_ =	swait.ge [sflag:s4], $0x0  }
0x19: {  	s7 =	sld [smem:$0x3F9C]  }
0x1a: {  	s8 =	sadd.s32 $0xFFFFE003, lr  }
0x1b: {  	s9 =	sadd.s32 $0xFFFFFEF7, lr;
	s5 =	simm.s32 $0xFFFFFFFF;
	p2 =	slt.u32 s8, $0xFFFFF086  }
0x1c: {  	p1 =	slt.u32 s9, $0xF7A;
	s5 =	simm.s32 @!p2 $0x0  }
0x1d: {  	s5 =	simm.s32 @p1 $0x1;
	p0 =	seq.s32 s7, s2  }
0x1e: {  	s7 =	smul.u32 @!p0 $0xF7A, s2;
	p2 =	seq.s32 @!p0 s5, $0x0  }
0x1f: {  	s9 =	smul.u32 $0xF7A, s1;
	s8 =	simm.s32 @!p0 $0x1BF5;
	p2 =	por !p2, p0  }
0x20: {  	[sflag:s8] =	ssyncset.s32 @!p0 $0xFFFFF086;
	s6 =	sadd.s32 @!p0 s3, s7;
	s7 =	simm.s32 @!p0 $0x108  }
0x21: {  	s3 =	sadd.s32 s3, s9;
	s6 =	sadd.s32 @!p0 $0x88, s6;
	s7 =	simm.s32 @p2 $0x1082  }
0x22: {  	[simem:s7], [sflag:s8] =	dma.local @!p0 [hbm:s6], $0xF7A  }
0x23: {  	s9 =	sor.u32 $0xD0000000, s2;
	s6 =	simm.s32 $0x108;
	_ =	swait.ge @!p0 [sflag:s8], $0x0  }
0x24: {  	s3 =	sadd.s32 $0x88, s3;
	s6 =	simm.s32 @!p1 $0x1082;
	[sflag:s4] =	ssyncset.s32 $0xFFFFF086  }
0x25: {  	[simem:s6], [sflag:s4] =	dma.local [hbm:s3], $0xF7A  }
0x26: {  	[smem:$0x3F9C] =	sst s1;
	(tag) =	ssettag s2;
	_ =	strace s9  }
0x27: {  	s1 =	sld [smem:$0x3FAC]  }
0x28: {  	s2 =	sld [smem:$0x3FAD]  }
0x29: {  	s4 =	sld [smem:$0x3FAF]  }
0x2a: {  	p0 =	seq.s32 s5, $0x0;
	s5 =	sld [smem:$0x3FB0]  }
0x2b: {  	s6 =	sld [smem:$0x3FB1]  }
0x2c: {  	s7 =	sld [smem:$0x3FB2]  }
0x2d: {  	s3 =	simm.s32 $0x108;
	s8 =	sld [smem:$0x3FB3]  }
0x2e: {  	s3 =	simm.s32 @!p0 $0x1082;
	s9 =	sld [smem:$0x3FB4]  }
0x2f: {  	lr =	sadd.s32 s0, s3;
	s0 =	sld [smem:$0x3FAB]  }
0x30: {  	s3 =	sld [smem:$0x3FAE]  }
0x31: {  	[smem:$0x3FB7] =	sst s10  }
0x32: {  	s10 =	sld [smem:$0x3FB5];
	_ =	sdelay $0x3  }
0x33: {  	p0 =	seq.s32 s10, $0x1;
	s10 =	sld [smem:$0x3FB7];
	_ =	sdelay $0x3  }
0x34: {  	[smem:$0x3FB7] =	sst s10  }
0x35: {  	s10 =	sld [smem:$0x3FB6];
	_ =	sdelay $0x3  }
0x36: {  	p1 =	seq.s32 s10, $0x1;
	s10 =	sld [smem:$0x3FB7];
	_ =	sdelay $0x3  }
0x37: {  	[smem:$0x3FB7] =	sst s10  }
0x38: {  	s10 =	sld [smem:$0x3FB8]  }
0x39: {  	_ = 	snop;
	(pc) =	sbr.ind lr, $3  }
0x3a: {  	_ = 	snop  }
0x3b: {  	_ = 	snop  }
0x3c: {  	p2 =	seq.s32 s10, $0x1;
	s10 =	sld [smem:$0x3FB7]  }
0x3d: {  	_ =	shalt  }
0x3e: {  	_ =	shalt  }
0x3f: {  	_ =	shalt  }
0x40: {  	_ =	shalt  }
0x41: {  	_ =	shalt  }
0x42: {  	_ =	shalt  }
0x43: {  	_ =	shalt  }
0x44: {  	_ =	shalt  }
0x45: {  	_ =	shalt  }
0x46: {  	_ =	shalt  }
0x47: {  	_ =	shalt  }
0x48: {  	_ =	shalt  }
0x49: {  	_ =	shalt  }
0x4a: {  	_ =	shalt  }
0x4b: {  	_ =	shalt  }
0x4c: {  	_ =	shalt  }
0x4d: {  	_ =	shalt  }
0x4e: {  	_ =	shalt  }
0x4f: {  	_ =	shalt  }
0x50: {  	_ =	shalt  }
0x51: {  	_ =	shalt  }
0x52: {  	_ =	shalt  }
0x53: {  	_ =	shalt  }
0x54: {  	_ =	shalt  }
0x55: {  	_ =	shalt  }
0x56: {  	_ =	shalt  }
0x57: {  	_ =	shalt  }
0x58: {  	_ =	shalt  }
0x59: {  	_ =	shalt  }
0x5a: {  	_ =	shalt  }
0x5b: {  	_ =	shalt  }
0x5c: {  	_ =	shalt  }
0x5d: {  	_ =	shalt  }
0x5e: {  	_ =	shalt  }
0x5f: {  	_ =	shalt  }
0x60: {  	_ =	shalt  }
0x61: {  	_ =	shalt  }
0x62: {  	_ =	shalt  }
0x63: {  	_ =	shalt  }
0x64: {  	_ =	shalt  }
0x65: {  	_ =	shalt  }
0x66: {  	_ =	shalt  }
0x67: {  	_ =	shalt  }
0x68: {  	_ =	shalt  }
0x69: {  	_ =	shalt  }
0x6a: {  	_ =	shalt  }
0x6b: {  	_ =	shalt  }
0x6c: {  	_ =	shalt  }
0x6d: {  	_ =	shalt  }
0x6e: {  	_ =	shalt  }
0x6f: {  	_ =	shalt  }
0x70: {  	_ =	shalt  }
0x71: {  	_ =	shalt  }
0x72: {  	_ =	shalt  }
0x73: {  	_ =	shalt  }
0x74: {  	_ =	shalt  }
0x75: {  	_ =	shalt  }
0x76: {  	_ =	shalt  }
0x77: {  	_ =	shalt  }
0x78: {  	_ =	shalt  }
0x79: {  	_ =	shalt  }
0x7a: {  	_ =	shalt  }
0x7b: {  	_ =	shalt  }
0x7c: {  	_ =	shalt  }
0x7d: {  	_ =	shalt  }
0x7e: {  	_ =	shalt  }
0x7f: {  	_ =	shalt  }
0x80: {  	_ =	shalt  }
0x81: {  	_ =	shalt  }
0x82: {  	_ =	shalt  }
0x83: {  	_ =	shalt  }
0x84: {  	_ =	shalt  }
0x85: {  	_ =	shalt  }
0x86: {  	_ =	shalt  }
0x87: {  	_ =	shalt  }
.Lfunc_end0:
.L_simem_size_0:
called_computation_lowered:
.L_overlay_start_0:
0x88: {  	s2 =	sld [smem:$0x3FD9]  }
0x89: {  	s3 =	sld [smem:$0x3FFE];
	_ =	sdelay $0x1  }
0x8a: {  	s1 =	srdreg.scid  }
0x8b: {  	s0 =	sand.u32 $0x1, s1  }
0x8c: {  	s14 =	sshll.u32 s0, $0xA;
	s2 =	sadd.s32 s3, s2  }
0x8d: {  	s2 =	sadd.s32 s2, s14  }
0x8e: {  	[smem:$0x3FC3] =	sst s2  }
0x8f: {  	_ = 	snop  }
0x90: {  	s2 =	sld [smem:$0x3FD0];
	_ =	sdelay $0x2  }
0x91: {  	s15 =	simm.s32 $0xA;
	s4 =	simm.s32 $0x10  }
0x92: {  	[smem:s4], [sflag:s15] =	dma.local [hbm:s2], $0x1  }
0x93: {  	_ =	swait.eq [sflag:s15], $0x1  }
0x94: {  	[sflag:s15] =	ssyncset.done $0x0  }
0x95: {  	[sflag:s15] =	ssyncadd.s32 $0xFFFFFFFF  }
0x96: {  	s16 =	sld [smem:$0x11];
	(tm) =	ssettm $0x1  }
0x97: {  	s17 =	sld [smem:$0x3FFB];
	_ =	sdelay $0x3  }
0x98: {  	_ =	strace s17  }
0x99: {  	s3 =	sld [smem:$0x3FFC];
	_ =	sdelay $0x3  }
0x9a: {  	_ =	strace s3  }
0x9b: {  	s3 =	sld [smem:$0x3FFD];
	_ =	sdelay $0x3  }
0x9c: {  	_ =	strace s3  }
0x9d: {  	_ =	strace $0x8FFFFFFF  }
0x9e: {  	s18 =	sld [smem:$0x3FDB];
	_ =	sdelay $0x1  }
0x9f: {  	s19 =	simm.s32 $_scs_section_size  }
0xa0: {  	s5 =	simm.s32 $_size__tile_overlayer_lowered;
	s6 =	simm.s32 $_tile_overlayer_lowered  }
0xa1: {  	s22 =	simm.s32 $0x1BFF;
	s21 =	sshll.u32 s6, $0x1;
	s3 =	sadd.s32 s19, s18  }
0xa2: {  	s7 =	simm.s32 $0x0;
	s20 =	sshll.u32 s5, $0x1;
	s5 =	sadd.s32 s21, s3  }
0xa3: {  	[timem:s7], [sflag:s22] =	dma.local [hbm:s5], s20  }
0xa4: {  	_ =	swait.ge [sflag:s22], s20  }
0xa5: {  	s4 =	ssub.s32 $0x0, s20;
	[sflag:s22] =	ssyncset.done $0x0  }
0xa6: {  	[sflag:s22] =	ssyncadd.s32 s4;
	_ =	sdelay $0x1  }
0xa7: {  	s23 =	simm.s32 $0x1B8B  }
0xa8: {  	_ =	swait.ge [sflag:s23], $0x1  }
0xa9: {  	[sflag:s23] =	ssyncset.done $0x0  }
0xaa: {  	s25 =	simm.s32 $0x1B8E;
	s24 =	sld [smem:$0x3FFE];
	[sflag:s23] =	ssyncadd.s32 $0xFFFFFFFF  }
0xab: {  	s26 =	simm.s32 $execute0_lowered;
	[smem:$0x3FD2] =	sst s25  }
0xac: {  	s5 =	sshll.u32 s26, $0x1;
	_ =	strace $0x80000046;
	[dreg:$0x1] =	wrdreg $0xFFFFFFFF  }
0xad: {  	s28 =	simm.s32 $_size_execute0_lowered;
	s3 =	sadd.s32 s3, s5;
	[dreg:$0x0] =	wrdreg $0x0  }
0xae: {  	s5 =	sshll.u32 s28, $0x1;
	[dreg:$0x2] =	wrdreg s3  }
0xaf: {  	[dreg:$0x3] =	wrdreg s5  }
0xb0: {  	[dreg:$0x4] =	wrdreg $0xC0  }
0xb1: {  	_ =	task [dreg:s7], $0x5FFFF  }
0xb2: {  	[dreg:$0x1] =	wrdreg $0xFFFFFFFF  }
0xb3: {  	[dreg:$0x0] =	wrdreg $0x60  }
0xb4: {  	[dreg:$0x2] =	wrdreg s24  }
0xb5: {  	[dreg:$0x3] =	wrdreg s16  }
0xb6: {  	[dreg:$0x4] =	wrdreg $0x9  }
0xb7: {  	_ =	task.clear_ibuf [dreg:s7], $0x5FFFF;
	_ =	strace $0x90000046  }
0xb8: {  	s29 =	simm.s32 $0x9;
	_ =	strace $0x80000048  }
0xb9: {  	_ =	swait.ge [sflag:s29], $0x1  }
0xba: {  	[sflag:s29] =	ssyncadd.s32 $0xFFFFFFFF  }
0xbb: {  	_ =	strace $0x90000048  }
0xbc: {  	_ =	sfence  }
0xbd: {  	s30 =	sld [smem:$0x0];
	_ =	sdelay $0x2  }
0xbe: {  	s31 =	sshll.u32 s1, $0xD;
	s1 =	sshrl.u32 s1, $0x2  }
0xbf: {  	s3 =	sand.u32 $0x4000, s31;
	s1 =	sadd.s32 s1, s30  }
0xc0: {  	s0 =	sor.u32 s3, s0;
	s1 =	sshll.u32 s1, $0x11  }
0xc1: {  	s0 =	sor.u32 s1, s0  }
0xc2: {  	s0 =	sadd.s32 $0x8F2B, s0  }
0xc3: {  	[sflag:s0] =	ssyncadd.remote.s32 $0x1  }
0xc4: {  	_ =	sfence.sel $0xFFFF  }
0xc5: {  	[dreg:$0x0] =	wrdreg $0xFFFFFFFF;
	(pc) =	sbr.abs _section_cstart, $3  }
0xc6: {  	[dreg:$0x1] =	wrdreg $0xFFFFFFFF  }
0xc7: {  	_ =	task.clear_ibuf [dreg:s7], $0x2FFFF;
	_ =	strace $0x9FFFFFFF  }
0xc8: {  	(tm) =	ssettm $0x7FFFFFFF  }
0xc9: {  	_ =	shalt  }
tec
execute0_lowered:
.L_overlay_start_1:
0x0: {  	(tag) =	ssettag $0x1  }
0x1: {  	s0 =	rddreg [dreg:$0x0]  }
0x2: {  	s1 =	rddreg [dreg:$0x1];
	s2 =	simm.s32 $0x0;
	s3 =	srdreg.scid  }
0x3: {  	s4 =	stileid.u32;
	s8 =	simm.s32 $0x80;
	s10 =	simm.s32 $0x2800  }
0x4: {  	s25 =	simm.s32 $0x100;
	s11 =	simm.s32 $0x4800;
	s26 =	simm.s32 $0x180  }
0x5: {  	s12 =	simm.s32 $0x6800;
	s28 =	simm.s32 $0x200;
	s13 =	simm.s32 $0x8800  }
0x6: {  	s29 =	simm.s32 $0x280;
	s14 =	simm.s32 $0xA800;
	s30 =	simm.s32 $0x300  }
0x7: {  	s15 =	simm.s32 $0xC800;
	s31 =	simm.s32 $0x380;
	s16 =	simm.s32 $0xE800  }
0x8: {  	s17 =	simm.s32 $0x400;
	s3 =	sand.u32 $0x1, s3;
	s4 =	sshll.u32 s4, $0x1  }
0x9: {  	s18 =	simm.s32 $0x480;
	s4 =	sor.u32 s3, s4;
	s3 =	ssub.s32 $0x2, s3  }
0xa: {  	p0 =	por $0x0, $0x0;
	s19 =	simm.s32 $0x500;
	s7 =	sshrl.u32 s3, $0x1  }
0xb: {  	s20 =	simm.s32 $0x580;
	s21 =	simm.s32 $0x600;
	s3 =	ssub.s32 s3, s7  }
0xc: {  	s22 =	simm.s32 $0x680;
	s23 =	simm.s32 $0x700;
	s24 =	smax.u32 s3, $0x1  }
0xd: {  	[smem:$0x7FF] =	sst s2;
	s6 =	sadd.s32 $0x1600, s0;
	p1 =	sne.s32 s24, $0x1  }
.Ltmp0:
0xe: {  	s5 =	sshll.u32 s4, $0xE;
	s4 =	sshll.u32 s4, $0x8;
	(pc) =	sbr.rel @!p1 .LBB2_3-.Ltmp0, $4  }
0xf: {  	_ =	strace $0x80000047;
	s0 =	sadd.s32 s5, s0;
	s1 =	sadd.s32 s1, s4  }
0x10: {  	s5 =	simm.s32 $0x800;
	s7 =	simm.s32 $0x1;
	[dreg:$0x3] =	wrdreg s1  }
0x11: {  	s9 =	sadd.s32 $0x21600, s0;
	s4 =	sadd.s32 $0x23600, s0;
	s3 =	simm.s32 $0x2  }
0x12: {  	s0 =	sadd.s32 $0xFFFFFFFF, s24;
	s24 =	simm.s32 $0x780;
	s1 =	rddreg [dreg:$0x3]  }
0x13: {  	[tilespmem:s2], [sflag:$0x2] =	stream.linear.gather [hbm4b:s1+s2], $0x800, $0x38;
	[tilespmem:$0x10800] =	vst v63  }
0x14: {  	_ =	swait.ge [sflag:s3], $0x800  }
0x15: {  	[sflag:s3] =	ssyncset.done $0x0  }
0x16: {  	[sflag:s3] =	ssyncadd.s32 $0xFFFFF800  }
0x17: {  	[tilespmem:s5], [sflag:$0x1] =	stream.indirect.gather [hbm4b:s6+s8], $0x40, s2, s8, $0xb8;
	[tilespmem:$0x10800] =	vst v63  }
0x18: {  	_ = 	snop  }
0x19: {  	[tilespmem:s10], [sflag:$0x1] =	stream.indirect.gather [hbm4b:s6+s8], $0x40, s8, s8, $0xb8;
	[tilespmem:$0x10800] =	vst v63  }
0x1a: {  	_ = 	snop  }
0x1b: {  	[tilespmem:s11], [sflag:$0x1] =	stream.indirect.gather [hbm4b:s6+s8], $0x40, s25, s8, $0xb8;
	[tilespmem:$0x10800] =	vst v63  }
0x1c: {  	_ = 	snop  }
0x1d: {  	[tilespmem:s12], [sflag:$0x1] =	stream.indirect.gather [hbm4b:s6+s8], $0x40, s26, s8, $0xb8;
	[tilespmem:$0x10800] =	vst v63  }
0x1e: {  	_ = 	snop  }
0x1f: {  	[tilespmem:s13], [sflag:$0x1] =	stream.indirect.gather [hbm4b:s6+s8], $0x40, s28, s8, $0xb8;
	[tilespmem:$0x10800] =	vst v63  }
0x20: {  	_ = 	snop  }
0x21: {  	[tilespmem:s14], [sflag:$0x1] =	stream.indirect.gather [hbm4b:s6+s8], $0x40, s29, s8, $0xb8;
	[tilespmem:$0x10800] =	vst v63  }
0x22: {  	_ = 	snop  }
0x23: {  	[tilespmem:s15], [sflag:$0x1] =	stream.indirect.gather [hbm4b:s6+s8], $0x40, s30, s8, $0xb8;
	[tilespmem:$0x10800] =	vst v63  }
0x24: {  	_ = 	snop  }
0x25: {  	[tilespmem:s16], [sflag:$0x1] =	stream.indirect.gather [hbm4b:s6+s8], $0x40, s31, s8, $0xb8;
	[tilespmem:$0x10800] =	vst v63  }
0x26: {  	_ =	swait.ge [sflag:s7], $0x2000  }
0x27: {  	[sflag:s7] =	ssyncset.done $0x0  }
0x28: {  	[sflag:s7] =	ssyncadd.s32 $0xFFFFE000  }
0x29: {  	_ =	swait.ge [sflag:s7], $0x2000  }
0x2a: {  	[sflag:s7] =	ssyncset.done $0x0  }
0x2b: {  	[sflag:s7] =	ssyncadd.s32 $0xFFFFE000  }
0x2c: {  	_ =	swait.ge [sflag:s7], $0x2000  }
0x2d: {  	[sflag:s7] =	ssyncset.done $0x0  }
0x2e: {  	[sflag:s7] =	ssyncadd.s32 $0xFFFFE000  }
0x2f: {  	_ =	swait.ge [sflag:s7], $0x2000  }
0x30: {  	[sflag:s7] =	ssyncset.done $0x0  }
0x31: {  	[sflag:s7] =	ssyncadd.s32 $0xFFFFE000  }
0x32: {  	_ =	swait.ge [sflag:s7], $0x2000  }
0x33: {  	[sflag:s7] =	ssyncset.done $0x0  }
0x34: {  	[sflag:s7] =	ssyncadd.s32 $0xFFFFE000  }
0x35: {  	_ =	swait.ge [sflag:s7], $0x2000  }
0x36: {  	[sflag:s7] =	ssyncset.done $0x0  }
0x37: {  	[sflag:s7] =	ssyncadd.s32 $0xFFFFE000  }
0x38: {  	_ =	swait.ge [sflag:s7], $0x2000  }
0x39: {  	[sflag:s7] =	ssyncset.done $0x0  }
0x3a: {  	[sflag:s7] =	ssyncadd.s32 $0xFFFFE000  }
0x3b: {  	_ =	swait.ge [sflag:s7], $0x2000  }
0x3c: {  	[sflag:s7] =	ssyncset.done $0x0  }
0x3d: {  	[sflag:s7] =	ssyncadd.s32 $0xFFFFE000  }
0x3e: {  	[hbm4b:s9+s2] =	stream.linear.scatter [tilespmem:s5], [sflag:$0x2], $0x10000, $0x38;
	[tilespmem:$0x10800] =	vst v63  }
0x3f: {  	_ =	swait.ge [sflag:s3], $0x10000  }
0x40: {  	[sflag:s3] =	ssyncset.done $0x0  }
0x41: {  	[sflag:s3] =	ssyncadd.s32 $0xFFFF0000  }
0x42: {  	[tilespmem:s5], [sflag:$0x1] =	stream.indirect.gather [hbm4b:s6+s8], $0x40, s17, s8, $0xb8;
	[tilespmem:$0x10800] =	vst v63  }
0x43: {  	_ = 	snop  }
0x44: {  	[tilespmem:s10], [sflag:$0x1] =	stream.indirect.gather [hbm4b:s6+s8], $0x40, s18, s8, $0xb8;
	[tilespmem:$0x10800] =	vst v63  }
0x45: {  	_ = 	snop  }
0x46: {  	[tilespmem:s11], [sflag:$0x1] =	stream.indirect.gather [hbm4b:s6+s8], $0x40, s19, s8, $0xb8;
	[tilespmem:$0x10800] =	vst v63  }
0x47: {  	_ = 	snop  }
0x48: {  	[tilespmem:s12], [sflag:$0x1] =	stream.indirect.gather [hbm4b:s6+s8], $0x40, s20, s8, $0xb8;
	[tilespmem:$0x10800] =	vst v63  }
0x49: {  	_ = 	snop  }
0x4a: {  	[tilespmem:s13], [sflag:$0x1] =	stream.indirect.gather [hbm4b:s6+s8], $0x40, s21, s8, $0xb8;
	[tilespmem:$0x10800] =	vst v63  }
0x4b: {  	_ = 	snop  }
0x4c: {  	[tilespmem:s14], [sflag:$0x1] =	stream.indirect.gather [hbm4b:s6+s8], $0x40, s22, s8, $0xb8;
	[tilespmem:$0x10800] =	vst v63  }
0x4d: {  	_ = 	snop  }
0x4e: {  	[tilespmem:s15], [sflag:$0x1] =	stream.indirect.gather [hbm4b:s6+s8], $0x40, s23, s8, $0xb8;
	[tilespmem:$0x10800] =	vst v63  }
0x4f: {  	_ = 	snop  }
0x50: {  	[tilespmem:s16], [sflag:$0x1] =	stream.indirect.gather [hbm4b:s6+s8], $0x40, s24, s8, $0xb8;
	[tilespmem:$0x10800] =	vst v63  }
0x51: {  	_ =	swait.ge [sflag:s7], $0x2000  }
0x52: {  	[sflag:s7] =	ssyncset.done $0x0  }
0x53: {  	[sflag:s7] =	ssyncadd.s32 $0xFFFFE000  }
0x54: {  	_ =	swait.ge [sflag:s7], $0x2000  }
0x55: {  	[sflag:s7] =	ssyncset.done $0x0  }
0x56: {  	[sflag:s7] =	ssyncadd.s32 $0xFFFFE000  }
0x57: {  	_ =	swait.ge [sflag:s7], $0x2000  }
0x58: {  	[sflag:s7] =	ssyncset.done $0x0  }
0x59: {  	[sflag:s7] =	ssyncadd.s32 $0xFFFFE000  }
0x5a: {  	_ =	swait.ge [sflag:s7], $0x2000  }
0x5b: {  	[sflag:s7] =	ssyncset.done $0x0  }
0x5c: {  	[sflag:s7] =	ssyncadd.s32 $0xFFFFE000  }
0x5d: {  	_ =	swait.ge [sflag:s7], $0x2000  }
0x5e: {  	[sflag:s7] =	ssyncset.done $0x0  }
0x5f: {  	[sflag:s7] =	ssyncadd.s32 $0xFFFFE000  }
0x60: {  	_ =	swait.ge [sflag:s7], $0x2000  }
0x61: {  	[sflag:s7] =	ssyncset.done $0x0  }
0x62: {  	[sflag:s7] =	ssyncadd.s32 $0xFFFFE000  }
0x63: {  	_ =	swait.ge [sflag:s7], $0x2000  }
0x64: {  	[sflag:s7] =	ssyncset.done $0x0  }
0x65: {  	[sflag:s7] =	ssyncadd.s32 $0xFFFFE000  }
0x66: {  	p1 =	sne.s32 s0, $0x1;
	_ =	swait.ge [sflag:s7], $0x2000  }
.Ltmp1:
0x67: {  	[sflag:s7] =	ssyncset.done $0x0;
	(pc) =	sbr.rel @!p1 .LBB2_3-.Ltmp1, $4  }
0x68: {  	[sflag:s7] =	ssyncadd.s32 $0xFFFFE000  }
0x69: {  	[hbm4b:s4+s2] =	stream.linear.scatter [tilespmem:s5], [sflag:$0x2], $0x10000, $0x38;
	[tilespmem:$0x10800] =	vst v63  }
0x6a: {  	s0 =	sadd.s32 $0xFFFFFFFF, s0;
	_ =	swait.ge [sflag:s3], $0x10000  }
0x6b: {  	p0 =	por $0x1, $0x1;
	s1 =	rddreg [dreg:$0x3];
	[sflag:s3] =	ssyncset.done $0x0  }
.LBB2_2:
0x6c: {  	[sflag:s3] =	ssyncadd.s32 $0xFFFF0000  }
0x6d: {  	[tilespmem:s2], [sflag:$0x2] =	stream.linear.gather [hbm4b:s1+s2], $0x800, $0x38;
	[tilespmem:$0x10800] =	vst v63  }
0x6e: {  	_ =	swait.ge [sflag:s3], $0x800  }
0x6f: {  	[sflag:s3] =	ssyncset.done $0x0  }
0x70: {  	[sflag:s3] =	ssyncadd.s32 $0xFFFFF800  }
0x71: {  	[tilespmem:s5], [sflag:$0x1] =	stream.indirect.gather [hbm4b:s6+s8], $0x40, s2, s8, $0xb8;
	[tilespmem:$0x10800] =	vst v63  }
0x72: {  	_ = 	snop  }
0x73: {  	[tilespmem:s10], [sflag:$0x1] =	stream.indirect.gather [hbm4b:s6+s8], $0x40, s8, s8, $0xb8;
	[tilespmem:$0x10800] =	vst v63  }
0x74: {  	_ = 	snop  }
0x75: {  	[tilespmem:s11], [sflag:$0x1] =	stream.indirect.gather [hbm4b:s6+s8], $0x40, s25, s8, $0xb8;
	[tilespmem:$0x10800] =	vst v63  }
0x76: {  	_ = 	snop  }
0x77: {  	[tilespmem:s12], [sflag:$0x1] =	stream.indirect.gather [hbm4b:s6+s8], $0x40, s26, s8, $0xb8;
	[tilespmem:$0x10800] =	vst v63  }
0x78: {  	_ = 	snop  }
0x79: {  	[tilespmem:s13], [sflag:$0x1] =	stream.indirect.gather [hbm4b:s6+s8], $0x40, s28, s8, $0xb8;
	[tilespmem:$0x10800] =	vst v63  }
0x7a: {  	_ = 	snop  }
0x7b: {  	[tilespmem:s14], [sflag:$0x1] =	stream.indirect.gather [hbm4b:s6+s8], $0x40, s29, s8, $0xb8;
	[tilespmem:$0x10800] =	vst v63  }
0x7c: {  	_ = 	snop  }
0x7d: {  	[tilespmem:s15], [sflag:$0x1] =	stream.indirect.gather [hbm4b:s6+s8], $0x40, s30, s8, $0xb8;
	[tilespmem:$0x10800] =	vst v63  }
0x7e: {  	_ = 	snop  }
0x7f: {  	[tilespmem:s16], [sflag:$0x1] =	stream.indirect.gather [hbm4b:s6+s8], $0x40, s31, s8, $0xb8;
	[tilespmem:$0x10800] =	vst v63  }
0x80: {  	_ =	swait.ge [sflag:s7], $0x2000  }
0x81: {  	[sflag:s7] =	ssyncset.done $0x0  }
0x82: {  	[sflag:s7] =	ssyncadd.s32 $0xFFFFE000  }
0x83: {  	_ =	swait.ge [sflag:s7], $0x2000  }
0x84: {  	[sflag:s7] =	ssyncset.done $0x0  }
0x85: {  	[sflag:s7] =	ssyncadd.s32 $0xFFFFE000  }
0x86: {  	_ =	swait.ge [sflag:s7], $0x2000  }
0x87: {  	[sflag:s7] =	ssyncset.done $0x0  }
0x88: {  	[sflag:s7] =	ssyncadd.s32 $0xFFFFE000  }
0x89: {  	_ =	swait.ge [sflag:s7], $0x2000  }
0x8a: {  	[sflag:s7] =	ssyncset.done $0x0  }
0x8b: {  	[sflag:s7] =	ssyncadd.s32 $0xFFFFE000  }
0x8c: {  	_ =	swait.ge [sflag:s7], $0x2000  }
0x8d: {  	[sflag:s7] =	ssyncset.done $0x0  }
0x8e: {  	[sflag:s7] =	ssyncadd.s32 $0xFFFFE000  }
0x8f: {  	_ =	swait.ge [sflag:s7], $0x2000  }
0x90: {  	[sflag:s7] =	ssyncset.done $0x0  }
0x91: {  	[sflag:s7] =	ssyncadd.s32 $0xFFFFE000  }
0x92: {  	_ =	swait.ge [sflag:s7], $0x2000  }
0x93: {  	[sflag:s7] =	ssyncset.done $0x0  }
0x94: {  	[sflag:s7] =	ssyncadd.s32 $0xFFFFE000  }
0x95: {  	_ =	swait.ge [sflag:s7], $0x2000  }
0x96: {  	[sflag:s7] =	ssyncset.done $0x0  }
0x97: {  	[sflag:s7] =	ssyncadd.s32 $0xFFFFE000  }
0x98: {  	[hbm4b:s9+s2] =	stream.linear.scatter [tilespmem:s5], [sflag:$0x2], $0x10000, $0x38;
	[tilespmem:$0x10800] =	vst v63  }
0x99: {  	_ =	swait.ge [sflag:s3], $0x10000  }
0x9a: {  	[sflag:s3] =	ssyncset.done $0x0  }
0x9b: {  	[sflag:s3] =	ssyncadd.s32 $0xFFFF0000  }
0x9c: {  	[tilespmem:s5], [sflag:$0x1] =	stream.indirect.gather [hbm4b:s6+s8], $0x40, s17, s8, $0xb8;
	[tilespmem:$0x10800] =	vst v63  }
0x9d: {  	_ = 	snop  }
0x9e: {  	[tilespmem:s10], [sflag:$0x1] =	stream.indirect.gather [hbm4b:s6+s8], $0x40, s18, s8, $0xb8;
	[tilespmem:$0x10800] =	vst v63  }
0x9f: {  	_ = 	snop  }
0xa0: {  	[tilespmem:s11], [sflag:$0x1] =	stream.indirect.gather [hbm4b:s6+s8], $0x40, s19, s8, $0xb8;
	[tilespmem:$0x10800] =	vst v63  }
0xa1: {  	_ = 	snop  }
0xa2: {  	[tilespmem:s12], [sflag:$0x1] =	stream.indirect.gather [hbm4b:s6+s8], $0x40, s20, s8, $0xb8;
	[tilespmem:$0x10800] =	vst v63  }
0xa3: {  	_ = 	snop  }
0xa4: {  	[tilespmem:s13], [sflag:$0x1] =	stream.indirect.gather [hbm4b:s6+s8], $0x40, s21, s8, $0xb8;
	[tilespmem:$0x10800] =	vst v63  }
0xa5: {  	_ = 	snop  }
0xa6: {  	[tilespmem:s14], [sflag:$0x1] =	stream.indirect.gather [hbm4b:s6+s8], $0x40, s22, s8, $0xb8;
	[tilespmem:$0x10800] =	vst v63  }
0xa7: {  	_ = 	snop  }
0xa8: {  	[tilespmem:s15], [sflag:$0x1] =	stream.indirect.gather [hbm4b:s6+s8], $0x40, s23, s8, $0xb8;
	[tilespmem:$0x10800] =	vst v63  }
0xa9: {  	_ = 	snop  }
0xaa: {  	[tilespmem:s16], [sflag:$0x1] =	stream.indirect.gather [hbm4b:s6+s8], $0x40, s24, s8, $0xb8;
	[tilespmem:$0x10800] =	vst v63  }
0xab: {  	_ =	swait.ge [sflag:s7], $0x2000  }
0xac: {  	[sflag:s7] =	ssyncset.done $0x0  }
0xad: {  	[sflag:s7] =	ssyncadd.s32 $0xFFFFE000  }
0xae: {  	_ =	swait.ge [sflag:s7], $0x2000  }
0xaf: {  	[sflag:s7] =	ssyncset.done $0x0  }
0xb0: {  	[sflag:s7] =	ssyncadd.s32 $0xFFFFE000  }
0xb1: {  	_ =	swait.ge [sflag:s7], $0x2000  }
0xb2: {  	[sflag:s7] =	ssyncset.done $0x0  }
0xb3: {  	[sflag:s7] =	ssyncadd.s32 $0xFFFFE000  }
0xb4: {  	_ =	swait.ge [sflag:s7], $0x2000  }
0xb5: {  	[sflag:s7] =	ssyncset.done $0x0  }
0xb6: {  	[sflag:s7] =	ssyncadd.s32 $0xFFFFE000  }
0xb7: {  	_ =	swait.ge [sflag:s7], $0x2000  }
0xb8: {  	[sflag:s7] =	ssyncset.done $0x0  }
0xb9: {  	[sflag:s7] =	ssyncadd.s32 $0xFFFFE000  }
0xba: {  	_ =	swait.ge [sflag:s7], $0x2000  }
0xbb: {  	[sflag:s7] =	ssyncset.done $0x0  }
0xbc: {  	[sflag:s7] =	ssyncadd.s32 $0xFFFFE000  }
0xbd: {  	_ =	swait.ge [sflag:s7], $0x2000  }
0xbe: {  	[sflag:s7] =	ssyncset.done $0x0  }
0xbf: {  	[sflag:s7] =	ssyncadd.s32 $0xFFFFE000  }
0xc0: {  	p1 =	sne.s32 s0, $0x1;
	_ =	swait.ge [sflag:s7], $0x2000  }
.Ltmp2:
0xc1: {  	[sflag:s7] =	ssyncset.done $0x0;
	(pc) =	sbr.rel @p1 .LBB2_2-.Ltmp2, $4  }
0xc2: {  	[sflag:s7] =	ssyncadd.s32 $0xFFFFE000  }
0xc3: {  	[hbm4b:s4+s2] =	stream.linear.scatter [tilespmem:s5], [sflag:$0x2], $0x10000, $0x38;
	[tilespmem:$0x10800] =	vst v63  }
0xc4: {  	_ =	swait.ge [sflag:s3], $0x10000  }
0xc5: {  	s0 =	sadd.s32 $0xFFFFFFFF, s0;
	s1 =	rddreg [dreg:$0x3];
	[sflag:s3] =	ssyncset.done $0x0  }
.LBB2_3:
0xc6: {  	[sflag:s3] =	ssyncadd.s32 @p0 $0xFFFF0000  }
0xc7: {  	[tilespmem:s2], [sflag:$0x2] =	stream.linear.gather [hbm4b:s1+s2], $0x800, $0x38;
	[tilespmem:$0x10800] =	vst v63  }
0xc8: {  	_ =	swait.ge [sflag:s3], $0x800  }
0xc9: {  	[sflag:s3] =	ssyncset.done $0x0  }
0xca: {  	[sflag:s3] =	ssyncadd.s32 $0xFFFFF800  }
0xcb: {  	[tilespmem:s5], [sflag:$0x1] =	stream.indirect.gather [hbm4b:s6+s8], $0x40, s2, s8, $0xb8;
	[tilespmem:$0x10800] =	vst v63  }
0xcc: {  	_ = 	snop  }
0xcd: {  	[tilespmem:s10], [sflag:$0x1] =	stream.indirect.gather [hbm4b:s6+s8], $0x40, s8, s8, $0xb8;
	[tilespmem:$0x10800] =	vst v63  }
0xce: {  	_ = 	snop  }
0xcf: {  	[tilespmem:s11], [sflag:$0x1] =	stream.indirect.gather [hbm4b:s6+s8], $0x40, s25, s8, $0xb8;
	[tilespmem:$0x10800] =	vst v63  }
0xd0: {  	_ = 	snop  }
0xd1: {  	[tilespmem:s12], [sflag:$0x1] =	stream.indirect.gather [hbm4b:s6+s8], $0x40, s26, s8, $0xb8;
	[tilespmem:$0x10800] =	vst v63  }
0xd2: {  	_ = 	snop  }
0xd3: {  	[tilespmem:s13], [sflag:$0x1] =	stream.indirect.gather [hbm4b:s6+s8], $0x40, s28, s8, $0xb8;
	[tilespmem:$0x10800] =	vst v63  }
0xd4: {  	_ = 	snop  }
0xd5: {  	[tilespmem:s14], [sflag:$0x1] =	stream.indirect.gather [hbm4b:s6+s8], $0x40, s29, s8, $0xb8;
	[tilespmem:$0x10800] =	vst v63  }
0xd6: {  	_ = 	snop  }
0xd7: {  	[tilespmem:s15], [sflag:$0x1] =	stream.indirect.gather [hbm4b:s6+s8], $0x40, s30, s8, $0xb8;
	[tilespmem:$0x10800] =	vst v63  }
0xd8: {  	_ = 	snop  }
0xd9: {  	[tilespmem:s16], [sflag:$0x1] =	stream.indirect.gather [hbm4b:s6+s8], $0x40, s31, s8, $0xb8;
	[tilespmem:$0x10800] =	vst v63  }
0xda: {  	_ =	swait.ge [sflag:s7], $0x2000  }
0xdb: {  	[sflag:s7] =	ssyncset.done $0x0  }
0xdc: {  	[sflag:s7] =	ssyncadd.s32 $0xFFFFE000  }
0xdd: {  	_ =	swait.ge [sflag:s7], $0x2000  }
0xde: {  	[sflag:s7] =	ssyncset.done $0x0  }
0xdf: {  	[sflag:s7] =	ssyncadd.s32 $0xFFFFE000  }
0xe0: {  	_ =	swait.ge [sflag:s7], $0x2000  }
0xe1: {  	[sflag:s7] =	ssyncset.done $0x0  }
0xe2: {  	[sflag:s7] =	ssyncadd.s32 $0xFFFFE000  }
0xe3: {  	_ =	swait.ge [sflag:s7], $0x2000  }
0xe4: {  	[sflag:s7] =	ssyncset.done $0x0  }
0xe5: {  	[sflag:s7] =	ssyncadd.s32 $0xFFFFE000  }
0xe6: {  	_ =	swait.ge [sflag:s7], $0x2000  }
0xe7: {  	[sflag:s7] =	ssyncset.done $0x0  }
0xe8: {  	[sflag:s7] =	ssyncadd.s32 $0xFFFFE000  }
0xe9: {  	_ =	swait.ge [sflag:s7], $0x2000  }
0xea: {  	[sflag:s7] =	ssyncset.done $0x0  }
0xeb: {  	[sflag:s7] =	ssyncadd.s32 $0xFFFFE000  }
0xec: {  	_ =	swait.ge [sflag:s7], $0x2000  }
0xed: {  	[sflag:s7] =	ssyncset.done $0x0  }
0xee: {  	[sflag:s7] =	ssyncadd.s32 $0xFFFFE000  }
0xef: {  	_ =	swait.ge [sflag:s7], $0x2000  }
0xf0: {  	[sflag:s7] =	ssyncset.done $0x0  }
0xf1: {  	[sflag:s7] =	ssyncadd.s32 $0xFFFFE000  }
0xf2: {  	[hbm4b:s9+s2] =	stream.linear.scatter [tilespmem:s5], [sflag:$0x2], $0x10000, $0x38;
	[tilespmem:$0x10800] =	vst v63  }
0xf3: {  	_ =	swait.ge [sflag:s3], $0x10000  }
0xf4: {  	[sflag:s3] =	ssyncset.done $0x0  }
0xf5: {  	[sflag:s3] =	ssyncadd.s32 $0xFFFF0000  }
0xf6: {  	[tilespmem:s5], [sflag:$0x1] =	stream.indirect.gather [hbm4b:s6+s8], $0x40, s17, s8, $0xb8;
	[tilespmem:$0x10800] =	vst v63  }
0xf7: {  	_ = 	snop  }
0xf8: {  	[tilespmem:s10], [sflag:$0x1] =	stream.indirect.gather [hbm4b:s6+s8], $0x40, s18, s8, $0xb8;
	[tilespmem:$0x10800] =	vst v63  }
0xf9: {  	_ = 	snop  }
0xfa: {  	[tilespmem:s11], [sflag:$0x1] =	stream.indirect.gather [hbm4b:s6+s8], $0x40, s19, s8, $0xb8;
	[tilespmem:$0x10800] =	vst v63  }
0xfb: {  	_ = 	snop  }
0xfc: {  	[tilespmem:s12], [sflag:$0x1] =	stream.indirect.gather [hbm4b:s6+s8], $0x40, s20, s8, $0xb8;
	[tilespmem:$0x10800] =	vst v63  }
0xfd: {  	_ = 	snop  }
0xfe: {  	[tilespmem:s13], [sflag:$0x1] =	stream.indirect.gather [hbm4b:s6+s8], $0x40, s21, s8, $0xb8;
	[tilespmem:$0x10800] =	vst v63  }
0xff: {  	_ = 	snop  }
0x100: {  	[tilespmem:s14], [sflag:$0x1] =	stream.indirect.gather [hbm4b:s6+s8], $0x40, s22, s8, $0xb8;
	[tilespmem:$0x10800] =	vst v63  }
0x101: {  	_ = 	snop  }
0x102: {  	[tilespmem:s15], [sflag:$0x1] =	stream.indirect.gather [hbm4b:s6+s8], $0x40, s23, s8, $0xb8;
	[tilespmem:$0x10800] =	vst v63  }
0x103: {  	_ = 	snop  }
0x104: {  	[tilespmem:s16], [sflag:$0x1] =	stream.indirect.gather [hbm4b:s6+s8], $0x40, s24, s8, $0xb8;
	[tilespmem:$0x10800] =	vst v63  }
0x105: {  	_ =	swait.ge [sflag:s7], $0x2000  }
0x106: {  	[sflag:s7] =	ssyncset.done $0x0  }
0x107: {  	[sflag:s7] =	ssyncadd.s32 $0xFFFFE000  }
0x108: {  	_ =	swait.ge [sflag:s7], $0x2000  }
0x109: {  	[sflag:s7] =	ssyncset.done $0x0  }
0x10a: {  	[sflag:s7] =	ssyncadd.s32 $0xFFFFE000  }
0x10b: {  	_ =	swait.ge [sflag:s7], $0x2000  }
0x10c: {  	[sflag:s7] =	ssyncset.done $0x0  }
0x10d: {  	[sflag:s7] =	ssyncadd.s32 $0xFFFFE000  }
0x10e: {  	_ =	swait.ge [sflag:s7], $0x2000  }
0x10f: {  	[sflag:s7] =	ssyncset.done $0x0  }
0x110: {  	[sflag:s7] =	ssyncadd.s32 $0xFFFFE000  }
0x111: {  	_ =	swait.ge [sflag:s7], $0x2000  }
0x112: {  	[sflag:s7] =	ssyncset.done $0x0  }
0x113: {  	[sflag:s7] =	ssyncadd.s32 $0xFFFFE000  }
0x114: {  	_ =	swait.ge [sflag:s7], $0x2000  }
0x115: {  	[sflag:s7] =	ssyncset.done $0x0  }
0x116: {  	[sflag:s7] =	ssyncadd.s32 $0xFFFFE000  }
0x117: {  	_ =	swait.ge [sflag:s7], $0x2000  }
0x118: {  	[sflag:s7] =	ssyncset.done $0x0  }
0x119: {  	[sflag:s7] =	ssyncadd.s32 $0xFFFFE000  }
0x11a: {  	_ =	swait.ge [sflag:s7], $0x2000  }
0x11b: {  	[sflag:s7] =	ssyncset.done $0x0  }
0x11c: {  	[sflag:s7] =	ssyncadd.s32 $0xFFFFE000  }
0x11d: {  	[hbm4b:s4+s2] =	stream.linear.scatter [tilespmem:s5], [sflag:$0x2], $0x10000, $0x38;
	[tilespmem:$0x10800] =	vst v63  }
0x11e: {  	_ =	swait.ge [sflag:s3], $0x10000  }
0x11f: {  	[sflag:s3] =	ssyncset.done $0x0  }
0x120: {  	[sflag:s3] =	ssyncadd.s32 $0xFFFF0000  }
0x121: {  	_ =	sfence.sel $0x180000  }
0x122: {  	[bflag:$0x0] =	sbarrier.arrive $0xFFFF  }
0x123: {  	_ =	strace $0x90000047  }
0x124: {  	s0 =	stileid.u32;
	[bflag:$0x2] =	sbarrier.arrive $0xFFFF  }
0x125: {  	p0 =	sne.s32 s0, $0x0;
	s0 =	rddreg [dreg:$0x2]  }
0x126: {  	s0 =	sadd.s32 @!p0 $0x100000, s0  }
0x127: {  	[sflag:s0] =	ssyncadd.tile.s32 @!p0 $0x1;
	_ =	shalt  }
.Lfunc_end2:
_tile_overlayer_lowered:
.L_overlay_start_2:
0x128: {  	(tag) =	ssettag $0x2  }
0x129: {  	s0 =	rddreg [dreg:$0x0];
	s2 =	stileid.u32  }
0x12a: {  	s1 =	rddreg [dreg:$0x1];
	p0 =	sne.s32 s2, $0x0  }
0x12b: {  	s3 =	rddreg [dreg:$0x2];
	[bflag:$0x3] =	sbarrier.arrive $0xFFFF;
	s2 =	simm.s32 @!p0 $0x1C02  }
0x12c: {  	[timem:s3], [sflag:s2] =	dma.local @!p0 [hbm:s0], s1  }
0x12d: {  	s0 =	simm.s32 @!p0 $0x2  }
0x12e: {  	_ =	swait.ge @!p0 [sflag:s0], s1  }
0x12f: {  	s1 =	ssub.s32 @!p0 $0x0, s1;
	[sflag:s0] =	ssyncset.done @!p0 $0x0  }
0x130: {  	[sflag:s0] =	ssyncadd.s32 @!p0 s1  }
0x131: {  	[bflag:$0x3] =	sbarrier.arrive $0xFFFF  }
0x132: {  	_ =	shalt  }

</sc_bundles>
